<compile_context>
chip_gen: v7x
topology: tpu7x:2x2x1
jax: 0.10.2.dev20260603
libtpu: 0.0.44.dev20260713+nightly
codegen_flags: <defaults>
</compile_context>

<pallas_src>
import functools

import jax
import jax.numpy as jnp
from jax import lax
from jax.experimental import pallas as pl
from jax.experimental.pallas import tpu as pltpu
from jax.experimental.pallas import tpu_sc as plsc

_BLOCK = 64


@functools.lru_cache(maxsize=None)
def _make_hist_kernel(n_batch, n_blocks, vocab):
    info = plsc.get_sparse_core_info()
    nc, ns, lanes = info.num_cores, info.num_subcores, info.num_lanes
    nw = nc * ns
    total_blocks = n_batch * n_blocks
    assert total_blocks % nw == 0
    bpw = total_blocks // nw
    assert bpw == lanes == 16, "one block per vreg lane"
    assert nw % n_batch == 0 and nw // n_batch == 2, "two workers per batch"
    vtiles = (vocab + 127) // 128

    @functools.partial(
        pl.kernel,
        mesh=plsc.VectorSubcoreMesh(core_axis_name="c", subcore_axis_name="s"),
        compiler_params=pltpu.CompilerParams(
            needs_layout_passes=False,
            disable_bounds_checks=True,
            disable_semaphore_checks=True,
        ),
        out_type=jax.ShapeDtypeStruct(
            (n_batch, n_blocks, vtiles * 128), jnp.float32
        ),
        scratch_types=[
            pltpu.VMEM((bpw * _BLOCK,), jnp.int32),
            pltpu.VMEM((2, vtiles, 8, 128), jnp.float32),
            pltpu.SemaphoreType.DMA,
        ],
    )
    def hist_k(tok_hbm, hist_hbm, tok_v, acc_v, sem):
        wid = lax.axis_index("s") * nc + lax.axis_index("c")
        b = wid // 2
        h = wid % 2
        in_cp = pltpu.async_copy(
            tok_hbm.at[pl.ds(wid * (bpw * _BLOCK), bpw * _BLOCK)], tok_v, sem
        )

        zeros = jnp.zeros((lanes,), jnp.float32)

        def zero_body(i, carry):
            c = i // 8
            r = i % 8
            for g in range(2):
                for j in range(128 // lanes):
                    acc_v[g, c, r, pl.ds(j * lanes, lanes)] = zeros
            return carry

        lax.fori_loop(0, vtiles * 8, zero_body, None)
        in_cp.wait()

        lane = lax.iota(jnp.int32, lanes)
        col_base = lane * _BLOCK
        g_idx = lane >> 3
        r_idx = lane & 7
        ones = jnp.ones((lanes,), jnp.float32)
        sunroll = 4

        def scat_body(i, carry):
            t0 = i * sunroll
            for j in range(sunroll):
                tok = plsc.load_gather(tok_v, [col_base + (t0 + j)])
                plsc.addupdate_scatter(
                    acc_v, [g_idx, tok >> 7, r_idx, tok & 127], ones
                )
            return carry

        lax.fori_loop(0, _BLOCK // sunroll, scat_body, None)

        copies = []
        for g in range(2):
            for c in range(vtiles):
                copies.append(
                    pltpu.async_copy(
                        acc_v.at[g, c],
                        hist_hbm.at[b, pl.ds(h * 16 + g * 8, 8), pl.ds(c * 128, 128)],
                        sem,
                    )
                )
        for cp in copies:
            cp.wait()

    return hist_k


def kernel(tokens, cat_embed_f, num_embed_f):
    B, L = tokens.shape
    vocab = num_embed_f.shape[0]
    n_blocks = L // _BLOCK
    hist_padded = _make_hist_kernel(B, n_blocks, vocab)(tokens.reshape(-1))
    hist = hist_padded[:, :, :vocab]
    cat_ids = tokens[:, ::_BLOCK]
    new_tokens = jnp.concatenate([cat_ids, tokens], axis=1)
    return (new_tokens, cat_ids, hist)

# --- scband reference (transcript-rebuilt; emitter-appended) ---
"""Pipeline reference for scband-chunk-aggregator-1125281431613 (READ-ONLY COPY).

The authoritative reference and input builder live on the scoring server;
editing this copy changes nothing except your own understanding.
"""

import jax, jax.numpy as jnp
import numpy as np

BLOCK = 64

def setup_inputs(seed: int = 0) -> dict:
    key = jax.random.key(seed)
    k1, k2, k3 = jax.random.split(key, 3)
    tokens = jax.random.randint(k1, (16, 2048), 0, 1000, dtype=jnp.int64 if jax.config.jax_enable_x64 else jnp.int32).astype(jnp.int32)
    cat_embed_f = jax.random.normal(k2, (1000, 64), dtype=jnp.float32)
    num_embed_f = jax.random.normal(k3, (1000, 64), dtype=jnp.float32)
    return {"tokens": tokens, "cat_embed_f": cat_embed_f, "num_embed_f": num_embed_f}

def reference(tokens, cat_embed_f, num_embed_f):
    # Faithful translation of ChunkAggregator.forward
    if tokens.ndim == 2:
        tokens = tokens[:, :, None]
    B, L, H = tokens.shape
    pad_len = (-L) % BLOCK
    if pad_len:
        pad = jnp.zeros((B, pad_len, H), dtype=tokens.dtype)
        tokens = jnp.concatenate([tokens, pad], axis=1)
        L = L + pad_len
    n_blocks = L // BLOCK
    blocks = tokens.reshape(B, n_blocks, BLOCK, H)
    cat_ids = blocks[:, :, 0, :].reshape(B, -1).astype(jnp.int32)
    vocab = num_embed_f.shape[0]
    one_hot = jax.nn.one_hot(blocks.astype(jnp.int32).reshape(B, -1), vocab, dtype=jnp.float32)
    one_hot = one_hot.reshape(B, n_blocks, BLOCK, H, vocab)
    hist = one_hot.sum(axis=2).sum(axis=2)
    new_tokens = jnp.concatenate([cat_ids, tokens.reshape(B, -1)], axis=1)
    return (new_tokens, cat_ids, hist)

if __name__ == "__main__":
    import jax
    _d = setup_inputs()
    print(jax.jit(kernel)(*tuple(_d.values())))

</pallas_src>

<mosaic_0001>
#map = affine_map<(d0, d1) -> (0)>
#map1 = affine_map<(d0, d1) -> (0, 0, 0)>
module attributes {stable_mosaic.version = 14 : i64} {
  func.func @hist_k(%arg0: i32, %arg1: i32, %arg2: memref<32768xi32, #tpu.memory_space<hbm>>, %arg3: memref<16x32x1024xf32, #tpu.memory_space<hbm>>, %arg4: memref<1024xi32, #tpu.memory_space<vmem>>, %arg5: memref<2x8x8x128xf32, #tpu.memory_space<vmem>>, %arg6: memref<!tpu.dma_semaphore, #tpu.memory_space<semaphore_mem>>) attributes {dimension_semantics = [#tpu.dimension_semantics<core_parallel>, #tpu.dimension_semantics<subcore_parallel>], iteration_bounds = array<i64: 2, 16>, scalar_prefetch = 0 : i64, scratch_operands = 3 : i64, tpu.core_type = #tpu.core_type<sc_vector_subcore>, window_params = [{transform_indices = #map}, {transform_indices = #map1}]} {
    %mul3A = arith.constant 2 : i32
    %mul3A_0 = arith.muli %arg1, %mul3A : i32
    %add3A = arith.addi %mul3A_0, %arg0 : i32
    %jit3A = arith.constant 2 : i32
    %div3A = arith.divsi %add3A, %jit3A : i32
    %sign3A = arith.constant 0 : i32
    %sign3A_1 = arith.cmpi sgt, %add3A, %sign3A : i32
    %sign3A_2 = arith.extui %sign3A_1 : i1 to i32
    %sign3A_3 = arith.constant 0 : i32
    %sign3A_4 = arith.cmpi slt, %add3A, %sign3A_3 : i32
    %sign3A_5 = arith.extui %sign3A_4 : i1 to i32
    %sign3A_6 = arith.subi %sign3A_2, %sign3A_5 : i32
    %sign3A_7 = arith.constant 0 : i32
    %sign3A_8 = arith.cmpi sgt, %jit3A, %sign3A_7 : i32
    %sign3A_9 = arith.extui %sign3A_8 : i1 to i32
    %sign3A_10 = arith.constant 0 : i32
    %sign3A_11 = arith.cmpi slt, %jit3A, %sign3A_10 : i32
    %sign3A_12 = arith.extui %sign3A_11 : i1 to i32
    %sign3A_13 = arith.subi %sign3A_9, %sign3A_12 : i32
    %ne3A = arith.cmpi ne, %sign3A_6, %sign3A_13 : i32
    %rem3A = arith.remsi %add3A, %jit3A : i32
    %ne3A_14 = arith.constant 0 : i32
    %ne3A_15 = arith.cmpi ne, %rem3A, %ne3A_14 : i32
    %and3A = arith.andi %ne3A, %ne3A_15 : i1
    %sub3A = arith.constant 1 : i32
    %sub3A_16 = arith.subi %div3A, %sub3A : i32
    %select_n3A = arith.select %and3A, %sub3A_16, %div3A : i32
    %jit3A_17 = arith.constant 2 : i32
    %eq3A = arith.constant 0 : i32
    %eq3A_18 = arith.cmpi eq, %jit3A_17, %eq3A : i32
    %jit3A_19 = arith.constant 1 : i32
    %select_n3A_20 = arith.select %eq3A_18, %jit3A_19, %jit3A_17 : i32
    %rem3A_21 = arith.remsi %add3A, %select_n3A_20 : i32
    %ne3A_22 = arith.constant 0 : i32
    %ne3A_23 = arith.cmpi ne, %rem3A_21, %ne3A_22 : i32
    %lt3A = arith.constant 0 : i32
    %lt3A_24 = arith.cmpi slt, %rem3A_21, %lt3A : i32
    %lt3A_25 = arith.constant 0 : i32
    %lt3A_26 = arith.cmpi slt, %select_n3A_20, %lt3A_25 : i32
    %ne3A_27 = arith.xori %lt3A_24, %lt3A_26 : i1
    %and3A_28 = arith.andi %ne3A_27, %ne3A_23 : i1
    %add3A_29 = arith.addi %rem3A_21, %select_n3A_20 : i32
    %select_n3A_30 = arith.select %and3A_28, %add3A_29, %rem3A_21 : i32
    %mul3A_31 = arith.constant 1024 : i32
    %mul3A_32 = arith.muli %add3A, %mul3A_31 : i32
    %dma_start3A = tpu.memref_slice %arg2[%mul3A_32] : memref<32768xi32, #tpu.memory_space<hbm>> -> memref<1024xi32, #tpu.memory_space<hbm>>
    %dma_start3A_33 = tpu.memref_slice %arg2[%mul3A_32] : memref<32768xi32, #tpu.memory_space<hbm>> -> memref<1024xi32, #tpu.memory_space<hbm>>
    tpu.enqueue_dma source(%dma_start3A_33 : memref<1024xi32, #tpu.memory_space<hbm>>) target(%arg4 : memref<1024xi32, #tpu.memory_space<vmem>>) target_semaphore(%arg6 : memref<!tpu.dma_semaphore, #tpu.memory_space<semaphore_mem>>)
    %broadcast_in_dim3A = arith.constant 0.000000e+00 : f32
    %broadcast_in_dim3A_34 = vector.broadcast %broadcast_in_dim3A : f32 to vector<16xf32>
    %scan3A = arith.constant 0 : i32
    %scan3A_35 = arith.constant 64 : i32
    %scan3A_36 = arith.addi %scan3A, %scan3A_35 : i32
    %scan3A_37 = arith.constant 1 : i32
    scf.for %scan3A_631 = %scan3A to %scan3A_36 step %scan3A_37  : i32 {
      %jit3A_632 = arith.constant 8 : i32
      %div3A_633 = arith.divsi %scan3A_631, %jit3A_632 : i32
      %sign3A_634 = arith.constant 0 : i32
      %sign3A_635 = arith.cmpi sgt, %scan3A_631, %sign3A_634 : i32
      %sign3A_636 = arith.extui %sign3A_635 : i1 to i32
      %sign3A_637 = arith.constant 0 : i32
      %sign3A_638 = arith.cmpi slt, %scan3A_631, %sign3A_637 : i32
      %sign3A_639 = arith.extui %sign3A_638 : i1 to i32
      %sign3A_640 = arith.subi %sign3A_636, %sign3A_639 : i32
      %sign3A_641 = arith.constant 0 : i32
      %sign3A_642 = arith.cmpi sgt, %jit3A_632, %sign3A_641 : i32
      %sign3A_643 = arith.extui %sign3A_642 : i1 to i32
      %sign3A_644 = arith.constant 0 : i32
      %sign3A_645 = arith.cmpi slt, %jit3A_632, %sign3A_644 : i32
      %sign3A_646 = arith.extui %sign3A_645 : i1 to i32
      %sign3A_647 = arith.subi %sign3A_643, %sign3A_646 : i32
      %ne3A_648 = arith.cmpi ne, %sign3A_640, %sign3A_647 : i32
      %rem3A_649 = arith.remsi %scan3A_631, %jit3A_632 : i32
      %ne3A_650 = arith.constant 0 : i32
      %ne3A_651 = arith.cmpi ne, %rem3A_649, %ne3A_650 : i32
      %and3A_652 = arith.andi %ne3A_648, %ne3A_651 : i1
      %sub3A_653 = arith.constant 1 : i32
      %sub3A_654 = arith.subi %div3A_633, %sub3A_653 : i32
      %select_n3A_655 = arith.select %and3A_652, %sub3A_654, %div3A_633 : i32
      %jit3A_656 = arith.constant 8 : i32
      %eq3A_657 = arith.constant 0 : i32
      %eq3A_658 = arith.cmpi eq, %jit3A_656, %eq3A_657 : i32
      %jit3A_659 = arith.constant 1 : i32
      %select_n3A_660 = arith.select %eq3A_658, %jit3A_659, %jit3A_656 : i32
      %rem3A_661 = arith.remsi %scan3A_631, %select_n3A_660 : i32
      %ne3A_662 = arith.constant 0 : i32
      %ne3A_663 = arith.cmpi ne, %rem3A_661, %ne3A_662 : i32
      %lt3A_664 = arith.constant 0 : i32
      %lt3A_665 = arith.cmpi slt, %rem3A_661, %lt3A_664 : i32
      %lt3A_666 = arith.constant 0 : i32
      %lt3A_667 = arith.cmpi slt, %select_n3A_660, %lt3A_666 : i32
      %ne3A_668 = arith.xori %lt3A_665, %lt3A_667 : i1
      %and3A_669 = arith.andi %ne3A_668, %ne3A_663 : i1
      %add3A_670 = arith.addi %rem3A_661, %select_n3A_660 : i32
      %select_n3A_671 = arith.select %and3A_669, %add3A_670, %rem3A_661 : i32
      %swap3A = arith.constant 0 : i32
      %swap3A_672 = arith.index_cast %swap3A : i32 to index
      %swap3A_673 = arith.index_cast %select_n3A_655 : i32 to index
      %swap3A_674 = arith.index_cast %select_n3A_671 : i32 to index
      %swap3A_675 = arith.constant 0 : index
      %swap3A_676 = tpu.vector_load %arg5[%swap3A_672, %swap3A_673, %swap3A_674, %swap3A_675] {strides = array<i32>} : memref<2x8x8x128xf32, #tpu.memory_space<vmem>>, vector<16xf32>,
      tpu.vector_store %arg5[%swap3A_672, %swap3A_673, %swap3A_674, %swap3A_675], %broadcast_in_dim3A_34 {strides = array<i32>} : memref<2x8x8x128xf32, #tpu.memory_space<vmem>>, vector<16xf32>,
      %swap3A_677 = arith.constant 0 : i32
      %swap3A_678 = arith.index_cast %swap3A_677 : i32 to index
      %swap3A_679 = arith.index_cast %select_n3A_655 : i32 to index
      %swap3A_680 = arith.index_cast %select_n3A_671 : i32 to index
      %swap3A_681 = arith.constant 16 : index
      %swap3A_682 = tpu.vector_load %arg5[%swap3A_678, %swap3A_679, %swap3A_680, %swap3A_681] {strides = array<i32>} : memref<2x8x8x128xf32, #tpu.memory_space<vmem>>, vector<16xf32>,
      tpu.vector_store %arg5[%swap3A_678, %swap3A_679, %swap3A_680, %swap3A_681], %broadcast_in_dim3A_34 {strides = array<i32>} : memref<2x8x8x128xf32, #tpu.memory_space<vmem>>, vector<16xf32>,
      %swap3A_683 = arith.constant 0 : i32
      %swap3A_684 = arith.index_cast %swap3A_683 : i32 to index
      %swap3A_685 = arith.index_cast %select_n3A_655 : i32 to index
      %swap3A_686 = arith.index_cast %select_n3A_671 : i32 to index
      %swap3A_687 = arith.constant 32 : index
      %swap3A_688 = tpu.vector_load %arg5[%swap3A_684, %swap3A_685, %swap3A_686, %swap3A_687] {strides = array<i32>} : memref<2x8x8x128xf32, #tpu.memory_space<vmem>>, vector<16xf32>,
      tpu.vector_store %arg5[%swap3A_684, %swap3A_685, %swap3A_686, %swap3A_687], %broadcast_in_dim3A_34 {strides = array<i32>} : memref<2x8x8x128xf32, #tpu.memory_space<vmem>>, vector<16xf32>,
      %swap3A_689 = arith.constant 0 : i32
      %swap3A_690 = arith.index_cast %swap3A_689 : i32 to index
      %swap3A_691 = arith.index_cast %select_n3A_655 : i32 to index
      %swap3A_692 = arith.index_cast %select_n3A_671 : i32 to index
      %swap3A_693 = arith.constant 48 : index
      %swap3A_694 = tpu.vector_load %arg5[%swap3A_690, %swap3A_691, %swap3A_692, %swap3A_693] {strides = array<i32>} : memref<2x8x8x128xf32, #tpu.memory_space<vmem>>, vector<16xf32>,
      tpu.vector_store %arg5[%swap3A_690, %swap3A_691, %swap3A_692, %swap3A_693], %broadcast_in_dim3A_34 {strides = array<i32>} : memref<2x8x8x128xf32, #tpu.memory_space<vmem>>, vector<16xf32>,
      %swap3A_695 = arith.constant 0 : i32
      %swap3A_696 = arith.index_cast %swap3A_695 : i32 to index
      %swap3A_697 = arith.index_cast %select_n3A_655 : i32 to index
      %swap3A_698 = arith.index_cast %select_n3A_671 : i32 to index
      %swap3A_699 = arith.constant 64 : index
      %swap3A_700 = tpu.vector_load %arg5[%swap3A_696, %swap3A_697, %swap3A_698, %swap3A_699] {strides = array<i32>} : memref<2x8x8x128xf32, #tpu.memory_space<vmem>>, vector<16xf32>,
      tpu.vector_store %arg5[%swap3A_696, %swap3A_697, %swap3A_698, %swap3A_699], %broadcast_in_dim3A_34 {strides = array<i32>} : memref<2x8x8x128xf32, #tpu.memory_space<vmem>>, vector<16xf32>,
      %swap3A_701 = arith.constant 0 : i32
      %swap3A_702 = arith.index_cast %swap3A_701 : i32 to index
      %swap3A_703 = arith.index_cast %select_n3A_655 : i32 to index
      %swap3A_704 = arith.index_cast %select_n3A_671 : i32 to index
      %swap3A_705 = arith.constant 80 : index
      %swap3A_706 = tpu.vector_load %arg5[%swap3A_702, %swap3A_703, %swap3A_704, %swap3A_705] {strides = array<i32>} : memref<2x8x8x128xf32, #tpu.memory_space<vmem>>, vector<16xf32>,
      tpu.vector_store %arg5[%swap3A_702, %swap3A_703, %swap3A_704, %swap3A_705], %broadcast_in_dim3A_34 {strides = array<i32>} : memref<2x8x8x128xf32, #tpu.memory_space<vmem>>, vector<16xf32>,
      %swap3A_707 = arith.constant 0 : i32
      %swap3A_708 = arith.index_cast %swap3A_707 : i32 to index
      %swap3A_709 = arith.index_cast %select_n3A_655 : i32 to index
      %swap3A_710 = arith.index_cast %select_n3A_671 : i32 to index
      %swap3A_711 = arith.constant 96 : index
      %swap3A_712 = tpu.vector_load %arg5[%swap3A_708, %swap3A_709, %swap3A_710, %swap3A_711] {strides = array<i32>} : memref<2x8x8x128xf32, #tpu.memory_space<vmem>>, vector<16xf32>,
      tpu.vector_store %arg5[%swap3A_708, %swap3A_709, %swap3A_710, %swap3A_711], %broadcast_in_dim3A_34 {strides = array<i32>} : memref<2x8x8x128xf32, #tpu.memory_space<vmem>>, vector<16xf32>,
      %swap3A_713 = arith.constant 0 : i32
      %swap3A_714 = arith.index_cast %swap3A_713 : i32 to index
      %swap3A_715 = arith.index_cast %select_n3A_655 : i32 to index
      %swap3A_716 = arith.index_cast %select_n3A_671 : i32 to index
      %swap3A_717 = arith.constant 112 : index
      %swap3A_718 = tpu.vector_load %arg5[%swap3A_714, %swap3A_715, %swap3A_716, %swap3A_717] {strides = array<i32>} : memref<2x8x8x128xf32, #tpu.memory_space<vmem>>, vector<16xf32>,
      tpu.vector_store %arg5[%swap3A_714, %swap3A_715, %swap3A_716, %swap3A_717], %broadcast_in_dim3A_34 {strides = array<i32>} : memref<2x8x8x128xf32, #tpu.memory_space<vmem>>, vector<16xf32>,
      %swap3A_719 = arith.constant 1 : i32
      %swap3A_720 = arith.index_cast %swap3A_719 : i32 to index
      %swap3A_721 = arith.index_cast %select_n3A_655 : i32 to index
      %swap3A_722 = arith.index_cast %select_n3A_671 : i32 to index
      %swap3A_723 = arith.constant 0 : index
      %swap3A_724 = tpu.vector_load %arg5[%swap3A_720, %swap3A_721, %swap3A_722, %swap3A_723] {strides = array<i32>} : memref<2x8x8x128xf32, #tpu.memory_space<vmem>>, vector<16xf32>,
      tpu.vector_store %arg5[%swap3A_720, %swap3A_721, %swap3A_722, %swap3A_723], %broadcast_in_dim3A_34 {strides = array<i32>} : memref<2x8x8x128xf32, #tpu.memory_space<vmem>>, vector<16xf32>,
      %swap3A_725 = arith.constant 1 : i32
      %swap3A_726 = arith.index_cast %swap3A_725 : i32 to index
      %swap3A_727 = arith.index_cast %select_n3A_655 : i32 to index
      %swap3A_728 = arith.index_cast %select_n3A_671 : i32 to index
      %swap3A_729 = arith.constant 16 : index
      %swap3A_730 = tpu.vector_load %arg5[%swap3A_726, %swap3A_727, %swap3A_728, %swap3A_729] {strides = array<i32>} : memref<2x8x8x128xf32, #tpu.memory_space<vmem>>, vector<16xf32>,
      tpu.vector_store %arg5[%swap3A_726, %swap3A_727, %swap3A_728, %swap3A_729], %broadcast_in_dim3A_34 {strides = array<i32>} : memref<2x8x8x128xf32, #tpu.memory_space<vmem>>, vector<16xf32>,
      %swap3A_731 = arith.constant 1 : i32
      %swap3A_732 = arith.index_cast %swap3A_731 : i32 to index
      %swap3A_733 = arith.index_cast %select_n3A_655 : i32 to index
      %swap3A_734 = arith.index_cast %select_n3A_671 : i32 to index
      %swap3A_735 = arith.constant 32 : index
      %swap3A_736 = tpu.vector_load %arg5[%swap3A_732, %swap3A_733, %swap3A_734, %swap3A_735] {strides = array<i32>} : memref<2x8x8x128xf32, #tpu.memory_space<vmem>>, vector<16xf32>,
      tpu.vector_store %arg5[%swap3A_732, %swap3A_733, %swap3A_734, %swap3A_735], %broadcast_in_dim3A_34 {strides = array<i32>} : memref<2x8x8x128xf32, #tpu.memory_space<vmem>>, vector<16xf32>,
      %swap3A_737 = arith.constant 1 : i32
      %swap3A_738 = arith.index_cast %swap3A_737 : i32 to index
      %swap3A_739 = arith.index_cast %select_n3A_655 : i32 to index
      %swap3A_740 = arith.index_cast %select_n3A_671 : i32 to index
      %swap3A_741 = arith.constant 48 : index
      %swap3A_742 = tpu.vector_load %arg5[%swap3A_738, %swap3A_739, %swap3A_740, %swap3A_741] {strides = array<i32>} : memref<2x8x8x128xf32, #tpu.memory_space<vmem>>, vector<16xf32>,
      tpu.vector_store %arg5[%swap3A_738, %swap3A_739, %swap3A_740, %swap3A_741], %broadcast_in_dim3A_34 {strides = array<i32>} : memref<2x8x8x128xf32, #tpu.memory_space<vmem>>, vector<16xf32>,
      %swap3A_743 = arith.constant 1 : i32
      %swap3A_744 = arith.index_cast %swap3A_743 : i32 to index
      %swap3A_745 = arith.index_cast %select_n3A_655 : i32 to index
      %swap3A_746 = arith.index_cast %select_n3A_671 : i32 to index
      %swap3A_747 = arith.constant 64 : index
      %swap3A_748 = tpu.vector_load %arg5[%swap3A_744, %swap3A_745, %swap3A_746, %swap3A_747] {strides = array<i32>} : memref<2x8x8x128xf32, #tpu.memory_space<vmem>>, vector<16xf32>,
      tpu.vector_store %arg5[%swap3A_744, %swap3A_745, %swap3A_746, %swap3A_747], %broadcast_in_dim3A_34 {strides = array<i32>} : memref<2x8x8x128xf32, #tpu.memory_space<vmem>>, vector<16xf32>,
      %swap3A_749 = arith.constant 1 : i32
      %swap3A_750 = arith.index_cast %swap3A_749 : i32 to index
      %swap3A_751 = arith.index_cast %select_n3A_655 : i32 to index
      %swap3A_752 = arith.index_cast %select_n3A_671 : i32 to index
      %swap3A_753 = arith.constant 80 : index
      %swap3A_754 = tpu.vector_load %arg5[%swap3A_750, %swap3A_751, %swap3A_752, %swap3A_753] {strides = array<i32>} : memref<2x8x8x128xf32, #tpu.memory_space<vmem>>, vector<16xf32>,
      tpu.vector_store %arg5[%swap3A_750, %swap3A_751, %swap3A_752, %swap3A_753], %broadcast_in_dim3A_34 {strides = array<i32>} : memref<2x8x8x128xf32, #tpu.memory_space<vmem>>, vector<16xf32>,
      %swap3A_755 = arith.constant 1 : i32
      %swap3A_756 = arith.index_cast %swap3A_755 : i32 to index
      %swap3A_757 = arith.index_cast %select_n3A_655 : i32 to index
      %swap3A_758 = arith.index_cast %select_n3A_671 : i32 to index
      %swap3A_759 = arith.constant 96 : index
      %swap3A_760 = tpu.vector_load %arg5[%swap3A_756, %swap3A_757, %swap3A_758, %swap3A_759] {strides = array<i32>} : memref<2x8x8x128xf32, #tpu.memory_space<vmem>>, vector<16xf32>,
      tpu.vector_store %arg5[%swap3A_756, %swap3A_757, %swap3A_758, %swap3A_759], %broadcast_in_dim3A_34 {strides = array<i32>} : memref<2x8x8x128xf32, #tpu.memory_space<vmem>>, vector<16xf32>,
      %swap3A_761 = arith.constant 1 : i32
      %swap3A_762 = arith.index_cast %swap3A_761 : i32 to index
      %swap3A_763 = arith.index_cast %select_n3A_655 : i32 to index
      %swap3A_764 = arith.index_cast %select_n3A_671 : i32 to index
      %swap3A_765 = arith.constant 112 : index
      %swap3A_766 = tpu.vector_load %arg5[%swap3A_762, %swap3A_763, %swap3A_764, %swap3A_765] {strides = array<i32>} : memref<2x8x8x128xf32, #tpu.memory_space<vmem>>, vector<16xf32>,
      tpu.vector_store %arg5[%swap3A_762, %swap3A_763, %swap3A_764, %swap3A_765], %broadcast_in_dim3A_34 {strides = array<i32>} : memref<2x8x8x128xf32, #tpu.memory_space<vmem>>, vector<16xf32>,
    }
    %scan3A_38 = arith.constant 64 : i32
    %dma_wait3A = tpu.memref_slice %arg2[%mul3A_32] : memref<32768xi32, #tpu.memory_space<hbm>> -> memref<1024xi32, #tpu.memory_space<hbm>>
    %dma_wait3A_39 = tpu.memref_slice %arg2[%mul3A_32] : memref<32768xi32, #tpu.memory_space<hbm>> -> memref<1024xi32, #tpu.memory_space<hbm>>
    tpu.wait_dma2 semaphore(%arg6 : memref<!tpu.dma_semaphore, #tpu.memory_space<semaphore_mem>>) src(%dma_wait3A_39 : memref<1024xi32, #tpu.memory_space<hbm>>) dst(%arg4 : memref<1024xi32, #tpu.memory_space<vmem>>)
    %iota3A = tpu.iota {dimensions = array<i32: 0>} : vector<16xi32>
    %mul3A_40 = arith.constant 64 : i32
    %mul3A_41 = vector.broadcast %mul3A_40 : i32 to vector<16xi32>
    %mul3A_42 = arith.muli %iota3A, %mul3A_41 : vector<16xi32>
    %shift_right_arithmetic3A = arith.constant 3 : i32
    %shift_right_arithmetic3A_43 = vector.broadcast %shift_right_arithmetic3A : i32 to vector<16xi32>
    %shift_right_arithmetic3A_44 = arith.shrsi %iota3A, %shift_right_arithmetic3A_43 : vector<16xi32>
    %and3A_45 = arith.constant 7 : i32
    %and3A_46 = vector.broadcast %and3A_45 : i32 to vector<16xi32>
    %and3A_47 = arith.andi %iota3A, %and3A_46 : vector<16xi32>
    %broadcast_in_dim3A_48 = arith.constant 1.000000e+00 : f32
    %broadcast_in_dim3A_49 = vector.broadcast %broadcast_in_dim3A_48 : f32 to vector<16xf32>
    %scan3A_50 = arith.constant 0 : i32
    %scan3A_51 = arith.constant 16 : i32
    %scan3A_52 = arith.addi %scan3A_50, %scan3A_51 : i32
    %scan3A_53 = arith.constant 1 : i32
    scf.for %scan3A_631 = %scan3A_50 to %scan3A_52 step %scan3A_53  : i32 {
      %mul3A_632 = arith.constant 4 : i32
      %mul3A_633 = arith.muli %scan3A_631, %mul3A_632 : i32
      %add3A_634 = arith.constant 0 : i32
      %add3A_635 = arith.addi %mul3A_633, %add3A_634 : i32
      %add3A_636 = vector.broadcast %add3A_635 : i32 to vector<16xi32>
      %add3A_637 = arith.addi %mul3A_42, %add3A_636 : vector<16xi32>
      %gather3A = tpu.vector_load_idx %arg4[%add3A_637] : memref<1024xi32, #tpu.memory_space<vmem>>[vector<16xi32>], vector<16xi32>,
      %shift_right_arithmetic3A_638 = arith.constant 7 : i32
      %shift_right_arithmetic3A_639 = vector.broadcast %shift_right_arithmetic3A_638 : i32 to vector<16xi32>
      %shift_right_arithmetic3A_640 = arith.shrsi %gather3A, %shift_right_arithmetic3A_639 : vector<16xi32>
      %and3A_641 = arith.constant 127 : i32
      %and3A_642 = vector.broadcast %and3A_641 : i32 to vector<16xi32>
      %and3A_643 = arith.andi %gather3A, %and3A_642 : vector<16xi32>
      tpu.vector_store_idx %arg5[%shift_right_arithmetic3A_44, %shift_right_arithmetic3A_640, %and3A_47, %and3A_643], %broadcast_in_dim3A_49 {add = true} : memref<2x8x8x128xf32, #tpu.memory_space<vmem>>[vector<16xi32>, vector<16xi32>, vector<16xi32>, vector<16xi32>], vector<16xf32>,
      %add3A_644 = arith.constant 1 : i32
      %add3A_645 = arith.addi %mul3A_633, %add3A_644 : i32
      %add3A_646 = vector.broadcast %add3A_645 : i32 to vector<16xi32>
      %add3A_647 = arith.addi %mul3A_42, %add3A_646 : vector<16xi32>
      %gather3A_648 = tpu.vector_load_idx %arg4[%add3A_647] : memref<1024xi32, #tpu.memory_space<vmem>>[vector<16xi32>], vector<16xi32>,
      %shift_right_arithmetic3A_649 = arith.constant 7 : i32
      %shift_right_arithmetic3A_650 = vector.broadcast %shift_right_arithmetic3A_649 : i32 to vector<16xi32>
      %shift_right_arithmetic3A_651 = arith.shrsi %gather3A_648, %shift_right_arithmetic3A_650 : vector<16xi32>
      %and3A_652 = arith.constant 127 : i32
      %and3A_653 = vector.broadcast %and3A_652 : i32 to vector<16xi32>
      %and3A_654 = arith.andi %gather3A_648, %and3A_653 : vector<16xi32>
      tpu.vector_store_idx %arg5[%shift_right_arithmetic3A_44, %shift_right_arithmetic3A_651, %and3A_47, %and3A_654], %broadcast_in_dim3A_49 {add = true} : memref<2x8x8x128xf32, #tpu.memory_space<vmem>>[vector<16xi32>, vector<16xi32>, vector<16xi32>, vector<16xi32>], vector<16xf32>,
      %add3A_655 = arith.constant 2 : i32
      %add3A_656 = arith.addi %mul3A_633, %add3A_655 : i32
      %add3A_657 = vector.broadcast %add3A_656 : i32 to vector<16xi32>
      %add3A_658 = arith.addi %mul3A_42, %add3A_657 : vector<16xi32>
      %gather3A_659 = tpu.vector_load_idx %arg4[%add3A_658] : memref<1024xi32, #tpu.memory_space<vmem>>[vector<16xi32>], vector<16xi32>,
      %shift_right_arithmetic3A_660 = arith.constant 7 : i32
      %shift_right_arithmetic3A_661 = vector.broadcast %shift_right_arithmetic3A_660 : i32 to vector<16xi32>
      %shift_right_arithmetic3A_662 = arith.shrsi %gather3A_659, %shift_right_arithmetic3A_661 : vector<16xi32>
      %and3A_663 = arith.constant 127 : i32
      %and3A_664 = vector.broadcast %and3A_663 : i32 to vector<16xi32>
      %and3A_665 = arith.andi %gather3A_659, %and3A_664 : vector<16xi32>
      tpu.vector_store_idx %arg5[%shift_right_arithmetic3A_44, %shift_right_arithmetic3A_662, %and3A_47, %and3A_665], %broadcast_in_dim3A_49 {add = true} : memref<2x8x8x128xf32, #tpu.memory_space<vmem>>[vector<16xi32>, vector<16xi32>, vector<16xi32>, vector<16xi32>], vector<16xf32>,
      %add3A_666 = arith.constant 3 : i32
      %add3A_667 = arith.addi %mul3A_633, %add3A_666 : i32
      %add3A_668 = vector.broadcast %add3A_667 : i32 to vector<16xi32>
      %add3A_669 = arith.addi %mul3A_42, %add3A_668 : vector<16xi32>
      %gather3A_670 = tpu.vector_load_idx %arg4[%add3A_669] : memref<1024xi32, #tpu.memory_space<vmem>>[vector<16xi32>], vector<16xi32>,
      %shift_right_arithmetic3A_671 = arith.constant 7 : i32
      %shift_right_arithmetic3A_672 = vector.broadcast %shift_right_arithmetic3A_671 : i32 to vector<16xi32>
      %shift_right_arithmetic3A_673 = arith.shrsi %gather3A_670, %shift_right_arithmetic3A_672 : vector<16xi32>
      %and3A_674 = arith.constant 127 : i32
      %and3A_675 = vector.broadcast %and3A_674 : i32 to vector<16xi32>
      %and3A_676 = arith.andi %gather3A_670, %and3A_675 : vector<16xi32>
      tpu.vector_store_idx %arg5[%shift_right_arithmetic3A_44, %shift_right_arithmetic3A_673, %and3A_47, %and3A_676], %broadcast_in_dim3A_49 {add = true} : memref<2x8x8x128xf32, #tpu.memory_space<vmem>>[vector<16xi32>, vector<16xi32>, vector<16xi32>, vector<16xi32>], vector<16xf32>,
    }
    %scan3A_54 = arith.constant 16 : i32
    %mul3A_55 = arith.constant 16 : i32
    %mul3A_56 = arith.muli %select_n3A_30, %mul3A_55 : i32
    %add3A_57 = arith.constant 0 : i32
    %add3A_58 = arith.addi %mul3A_56, %add3A_57 : i32
    %dma_start3A_59 = arith.constant 0 : i32
    %dma_start3A_60 = arith.constant 0 : i32
    %dma_start3A_61 = arith.constant 0 : i32
    %dma_start3A_62 = arith.constant 0 : i32
    %dma_start3A_63 = tpu.memref_slice %arg5[%dma_start3A_59, %dma_start3A_60, %dma_start3A_61, %dma_start3A_62] : memref<2x8x8x128xf32, #tpu.memory_space<vmem>> -> memref<1x1x8x128xf32, #tpu.memory_space<vmem>>
    %dma_start3A_64 = tpu.memref_squeeze %dma_start3A_63 : memref<1x1x8x128xf32, #tpu.memory_space<vmem>> -> memref<8x128xf32, #tpu.memory_space<vmem>>
    %dma_start3A_65 = arith.constant 0 : i32
    %dma_start3A_66 = tpu.memref_slice %arg3[%select_n3A, %add3A_58, %dma_start3A_65] : memref<16x32x1024xf32, #tpu.memory_space<hbm>> -> memref<1x8x128xf32, #tpu.memory_space<hbm>>
    %dma_start3A_67 = tpu.memref_squeeze %dma_start3A_66 : memref<1x8x128xf32, #tpu.memory_space<hbm>> -> memref<8x128xf32, #tpu.memory_space<hbm>>
    %dma_start3A_68 = arith.constant 0 : i32
    %dma_start3A_69 = tpu.memref_slice %arg3[%select_n3A, %add3A_58, %dma_start3A_68] : memref<16x32x1024xf32, #tpu.memory_space<hbm>> -> memref<1x8x128xf32, #tpu.memory_space<hbm>>
    %dma_start3A_70 = tpu.memref_squeeze %dma_start3A_69 : memref<1x8x128xf32, #tpu.memory_space<hbm>> -> memref<8x128xf32, #tpu.memory_space<hbm>>
    %dma_start3A_71 = arith.constant 0 : i32
    %dma_start3A_72 = arith.constant 0 : i32
    %dma_start3A_73 = tpu.memref_slice %arg5[%dma_start3A_59, %dma_start3A_60, %dma_start3A_71, %dma_start3A_72] : memref<2x8x8x128xf32, #tpu.memory_space<vmem>> -> memref<1x1x8x128xf32, #tpu.memory_space<vmem>>
    %dma_start3A_74 = tpu.memref_squeeze %dma_start3A_73 : memref<1x1x8x128xf32, #tpu.memory_space<vmem>> -> memref<8x128xf32, #tpu.memory_space<vmem>>
    tpu.enqueue_dma source(%dma_start3A_74 : memref<8x128xf32, #tpu.memory_space<vmem>>) target(%dma_start3A_70 : memref<8x128xf32, #tpu.memory_space<hbm>>) target_semaphore(%arg6 : memref<!tpu.dma_semaphore, #tpu.memory_space<semaphore_mem>>)
    %mul3A_75 = arith.constant 16 : i32
    %mul3A_76 = arith.muli %select_n3A_30, %mul3A_75 : i32
    %add3A_77 = arith.constant 0 : i32
    %add3A_78 = arith.addi %mul3A_76, %add3A_77 : i32
    %dma_start3A_79 = arith.constant 0 : i32
    %dma_start3A_80 = arith.constant 1 : i32
    %dma_start3A_81 = arith.constant 0 : i32
    %dma_start3A_82 = arith.constant 0 : i32
    %dma_start3A_83 = tpu.memref_slice %arg5[%dma_start3A_79, %dma_start3A_80, %dma_start3A_81, %dma_start3A_82] : memref<2x8x8x128xf32, #tpu.memory_space<vmem>> -> memref<1x1x8x128xf32, #tpu.memory_space<vmem>>
    %dma_start3A_84 = tpu.memref_squeeze %dma_start3A_83 : memref<1x1x8x128xf32, #tpu.memory_space<vmem>> -> memref<8x128xf32, #tpu.memory_space<vmem>>
    %dma_start3A_85 = arith.constant 128 : i32
    %dma_start3A_86 = tpu.memref_slice %arg3[%select_n3A, %add3A_78, %dma_start3A_85] : memref<16x32x1024xf32, #tpu.memory_space<hbm>> -> memref<1x8x128xf32, #tpu.memory_space<hbm>>
    %dma_start3A_87 = tpu.memref_squeeze %dma_start3A_86 : memref<1x8x128xf32, #tpu.memory_space<hbm>> -> memref<8x128xf32, #tpu.memory_space<hbm>>
    %dma_start3A_88 = arith.constant 128 : i32
    %dma_start3A_89 = tpu.memref_slice %arg3[%select_n3A, %add3A_78, %dma_start3A_88] : memref<16x32x1024xf32, #tpu.memory_space<hbm>> -> memref<1x8x128xf32, #tpu.memory_space<hbm>>
    %dma_start3A_90 = tpu.memref_squeeze %dma_start3A_89 : memref<1x8x128xf32, #tpu.memory_space<hbm>> -> memref<8x128xf32, #tpu.memory_space<hbm>>
    %dma_start3A_91 = arith.constant 0 : i32
    %dma_start3A_92 = arith.constant 0 : i32
    %dma_start3A_93 = tpu.memref_slice %arg5[%dma_start3A_79, %dma_start3A_80, %dma_start3A_91, %dma_start3A_92] : memref<2x8x8x128xf32, #tpu.memory_space<vmem>> -> memref<1x1x8x128xf32, #tpu.memory_space<vmem>>
    %dma_start3A_94 = tpu.memref_squeeze %dma_start3A_93 : memref<1x1x8x128xf32, #tpu.memory_space<vmem>> -> memref<8x128xf32, #tpu.memory_space<vmem>>
    tpu.enqueue_dma source(%dma_start3A_94 : memref<8x128xf32, #tpu.memory_space<vmem>>) target(%dma_start3A_90 : memref<8x128xf32, #tpu.memory_space<hbm>>) target_semaphore(%arg6 : memref<!tpu.dma_semaphore, #tpu.memory_space<semaphore_mem>>)
    %mul3A_95 = arith.constant 16 : i32
    %mul3A_96 = arith.muli %select_n3A_30, %mul3A_95 : i32
    %add3A_97 = arith.constant 0 : i32
    %add3A_98 = arith.addi %mul3A_96, %add3A_97 : i32
    %dma_start3A_99 = arith.constant 0 : i32
    %dma_start3A_100 = arith.constant 2 : i32
    %dma_start3A_101 = arith.constant 0 : i32
    %dma_start3A_102 = arith.constant 0 : i32
    %dma_start3A_103 = tpu.memref_slice %arg5[%dma_start3A_99, %dma_start3A_100, %dma_start3A_101, %dma_start3A_102] : memref<2x8x8x128xf32, #tpu.memory_space<vmem>> -> memref<1x1x8x128xf32, #tpu.memory_space<vmem>>
    %dma_start3A_104 = tpu.memref_squeeze %dma_start3A_103 : memref<1x1x8x128xf32, #tpu.memory_space<vmem>> -> memref<8x128xf32, #tpu.memory_space<vmem>>
    %dma_start3A_105 = arith.constant 256 : i32
    %dma_start3A_106 = tpu.memref_slice %arg3[%select_n3A, %add3A_98, %dma_start3A_105] : memref<16x32x1024xf32, #tpu.memory_space<hbm>> -> memref<1x8x128xf32, #tpu.memory_space<hbm>>
    %dma_start3A_107 = tpu.memref_squeeze %dma_start3A_106 : memref<1x8x128xf32, #tpu.memory_space<hbm>> -> memref<8x128xf32, #tpu.memory_space<hbm>>
    %dma_start3A_108 = arith.constant 256 : i32
    %dma_start3A_109 = tpu.memref_slice %arg3[%select_n3A, %add3A_98, %dma_start3A_108] : memref<16x32x1024xf32, #tpu.memory_space<hbm>> -> memref<1x8x128xf32, #tpu.memory_space<hbm>>
    %dma_start3A_110 = tpu.memref_squeeze %dma_start3A_109 : memref<1x8x128xf32, #tpu.memory_space<hbm>> -> memref<8x128xf32, #tpu.memory_space<hbm>>
    %dma_start3A_111 = arith.constant 0 : i32
    %dma_start3A_112 = arith.constant 0 : i32
    %dma_start3A_113 = tpu.memref_slice %arg5[%dma_start3A_99, %dma_start3A_100, %dma_start3A_111, %dma_start3A_112] : memref<2x8x8x128xf32, #tpu.memory_space<vmem>> -> memref<1x1x8x128xf32, #tpu.memory_space<vmem>>
    %dma_start3A_114 = tpu.memref_squeeze %dma_start3A_113 : memref<1x1x8x128xf32, #tpu.memory_space<vmem>> -> memref<8x128xf32, #tpu.memory_space<vmem>>
    tpu.enqueue_dma source(%dma_start3A_114 : memref<8x128xf32, #tpu.memory_space<vmem>>) target(%dma_start3A_110 : memref<8x128xf32, #tpu.memory_space<hbm>>) target_semaphore(%arg6 : memref<!tpu.dma_semaphore, #tpu.memory_space<semaphore_mem>>)
    %mul3A_115 = arith.constant 16 : i32
    %mul3A_116 = arith.muli %select_n3A_30, %mul3A_115 : i32
    %add3A_117 = arith.constant 0 : i32
    %add3A_118 = arith.addi %mul3A_116, %add3A_117 : i32
    %dma_start3A_119 = arith.constant 0 : i32
    %dma_start3A_120 = arith.constant 3 : i32
    %dma_start3A_121 = arith.constant 0 : i32
    %dma_start3A_122 = arith.constant 0 : i32
    %dma_start3A_123 = tpu.memref_slice %arg5[%dma_start3A_119, %dma_start3A_120, %dma_start3A_121, %dma_start3A_122] : memref<2x8x8x128xf32, #tpu.memory_space<vmem>> -> memref<1x1x8x128xf32, #tpu.memory_space<vmem>>
    %dma_start3A_124 = tpu.memref_squeeze %dma_start3A_123 : memref<1x1x8x128xf32, #tpu.memory_space<vmem>> -> memref<8x128xf32, #tpu.memory_space<vmem>>
    %dma_start3A_125 = arith.constant 384 : i32
    %dma_start3A_126 = tpu.memref_slice %arg3[%select_n3A, %add3A_118, %dma_start3A_125] : memref<16x32x1024xf32, #tpu.memory_space<hbm>> -> memref<1x8x128xf32, #tpu.memory_space<hbm>>
    %dma_start3A_127 = tpu.memref_squeeze %dma_start3A_126 : memref<1x8x128xf32, #tpu.memory_space<hbm>> -> memref<8x128xf32, #tpu.memory_space<hbm>>
    %dma_start3A_128 = arith.constant 384 : i32
    %dma_start3A_129 = tpu.memref_slice %arg3[%select_n3A, %add3A_118, %dma_start3A_128] : memref<16x32x1024xf32, #tpu.memory_space<hbm>> -> memref<1x8x128xf32, #tpu.memory_space<hbm>>
    %dma_start3A_130 = tpu.memref_squeeze %dma_start3A_129 : memref<1x8x128xf32, #tpu.memory_space<hbm>> -> memref<8x128xf32, #tpu.memory_space<hbm>>
    %dma_start3A_131 = arith.constant 0 : i32
    %dma_start3A_132 = arith.constant 0 : i32
    %dma_start3A_133 = tpu.memref_slice %arg5[%dma_start3A_119, %dma_start3A_120, %dma_start3A_131, %dma_start3A_132] : memref<2x8x8x128xf32, #tpu.memory_space<vmem>> -> memref<1x1x8x128xf32, #tpu.memory_space<vmem>>
    %dma_start3A_134 = tpu.memref_squeeze %dma_start3A_133 : memref<1x1x8x128xf32, #tpu.memory_space<vmem>> -> memref<8x128xf32, #tpu.memory_space<vmem>>
    tpu.enqueue_dma source(%dma_start3A_134 : memref<8x128xf32, #tpu.memory_space<vmem>>) target(%dma_start3A_130 : memref<8x128xf32, #tpu.memory_space<hbm>>) target_semaphore(%arg6 : memref<!tpu.dma_semaphore, #tpu.memory_space<semaphore_mem>>)
    %mul3A_135 = arith.constant 16 : i32
    %mul3A_136 = arith.muli %select_n3A_30, %mul3A_135 : i32
    %add3A_137 = arith.constant 0 : i32
    %add3A_138 = arith.addi %mul3A_136, %add3A_137 : i32
    %dma_start3A_139 = arith.constant 0 : i32
    %dma_start3A_140 = arith.constant 4 : i32
    %dma_start3A_141 = arith.constant 0 : i32
    %dma_start3A_142 = arith.constant 0 : i32
    %dma_start3A_143 = tpu.memref_slice %arg5[%dma_start3A_139, %dma_start3A_140, %dma_start3A_141, %dma_start3A_142] : memref<2x8x8x128xf32, #tpu.memory_space<vmem>> -> memref<1x1x8x128xf32, #tpu.memory_space<vmem>>
    %dma_start3A_144 = tpu.memref_squeeze %dma_start3A_143 : memref<1x1x8x128xf32, #tpu.memory_space<vmem>> -> memref<8x128xf32, #tpu.memory_space<vmem>>
    %dma_start3A_145 = arith.constant 512 : i32
    %dma_start3A_146 = tpu.memref_slice %arg3[%select_n3A, %add3A_138, %dma_start3A_145] : memref<16x32x1024xf32, #tpu.memory_space<hbm>> -> memref<1x8x128xf32, #tpu.memory_space<hbm>>
    %dma_start3A_147 = tpu.memref_squeeze %dma_start3A_146 : memref<1x8x128xf32, #tpu.memory_space<hbm>> -> memref<8x128xf32, #tpu.memory_space<hbm>>
    %dma_start3A_148 = arith.constant 512 : i32
    %dma_start3A_149 = tpu.memref_slice %arg3[%select_n3A, %add3A_138, %dma_start3A_148] : memref<16x32x1024xf32, #tpu.memory_space<hbm>> -> memref<1x8x128xf32, #tpu.memory_space<hbm>>
    %dma_start3A_150 = tpu.memref_squeeze %dma_start3A_149 : memref<1x8x128xf32, #tpu.memory_space<hbm>> -> memref<8x128xf32, #tpu.memory_space<hbm>>
    %dma_start3A_151 = arith.constant 0 : i32
    %dma_start3A_152 = arith.constant 0 : i32
    %dma_start3A_153 = tpu.memref_slice %arg5[%dma_start3A_139, %dma_start3A_140, %dma_start3A_151, %dma_start3A_152] : memref<2x8x8x128xf32, #tpu.memory_space<vmem>> -> memref<1x1x8x128xf32, #tpu.memory_space<vmem>>
    %dma_start3A_154 = tpu.memref_squeeze %dma_start3A_153 : memref<1x1x8x128xf32, #tpu.memory_space<vmem>> -> memref<8x128xf32, #tpu.memory_space<vmem>>
    tpu.enqueue_dma source(%dma_start3A_154 : memref<8x128xf32, #tpu.memory_space<vmem>>) target(%dma_start3A_150 : memref<8x128xf32, #tpu.memory_space<hbm>>) target_semaphore(%arg6 : memref<!tpu.dma_semaphore, #tpu.memory_space<semaphore_mem>>)
    %mul3A_155 = arith.constant 16 : i32
    %mul3A_156 = arith.muli %select_n3A_30, %mul3A_155 : i32
    %add3A_157 = arith.constant 0 : i32
    %add3A_158 = arith.addi %mul3A_156, %add3A_157 : i32
    %dma_start3A_159 = arith.constant 0 : i32
    %dma_start3A_160 = arith.constant 5 : i32
    %dma_start3A_161 = arith.constant 0 : i32
    %dma_start3A_162 = arith.constant 0 : i32
    %dma_start3A_163 = tpu.memref_slice %arg5[%dma_start3A_159, %dma_start3A_160, %dma_start3A_161, %dma_start3A_162] : memref<2x8x8x128xf32, #tpu.memory_space<vmem>> -> memref<1x1x8x128xf32, #tpu.memory_space<vmem>>
    %dma_start3A_164 = tpu.memref_squeeze %dma_start3A_163 : memref<1x1x8x128xf32, #tpu.memory_space<vmem>> -> memref<8x128xf32, #tpu.memory_space<vmem>>
    %dma_start3A_165 = arith.constant 640 : i32
    %dma_start3A_166 = tpu.memref_slice %arg3[%select_n3A, %add3A_158, %dma_start3A_165] : memref<16x32x1024xf32, #tpu.memory_space<hbm>> -> memref<1x8x128xf32, #tpu.memory_space<hbm>>
    %dma_start3A_167 = tpu.memref_squeeze %dma_start3A_166 : memref<1x8x128xf32, #tpu.memory_space<hbm>> -> memref<8x128xf32, #tpu.memory_space<hbm>>
    %dma_start3A_168 = arith.constant 640 : i32
    %dma_start3A_169 = tpu.memref_slice %arg3[%select_n3A, %add3A_158, %dma_start3A_168] : memref<16x32x1024xf32, #tpu.memory_space<hbm>> -> memref<1x8x128xf32, #tpu.memory_space<hbm>>
    %dma_start3A_170 = tpu.memref_squeeze %dma_start3A_169 : memref<1x8x128xf32, #tpu.memory_space<hbm>> -> memref<8x128xf32, #tpu.memory_space<hbm>>
    %dma_start3A_171 = arith.constant 0 : i32
    %dma_start3A_172 = arith.constant 0 : i32
    %dma_start3A_173 = tpu.memref_slice %arg5[%dma_start3A_159, %dma_start3A_160, %dma_start3A_171, %dma_start3A_172] : memref<2x8x8x128xf32, #tpu.memory_space<vmem>> -> memref<1x1x8x128xf32, #tpu.memory_space<vmem>>
    %dma_start3A_174 = tpu.memref_squeeze %dma_start3A_173 : memref<1x1x8x128xf32, #tpu.memory_space<vmem>> -> memref<8x128xf32, #tpu.memory_space<vmem>>
    tpu.enqueue_dma source(%dma_start3A_174 : memref<8x128xf32, #tpu.memory_space<vmem>>) target(%dma_start3A_170 : memref<8x128xf32, #tpu.memory_space<hbm>>) target_semaphore(%arg6 : memref<!tpu.dma_semaphore, #tpu.memory_space<semaphore_mem>>)
    %mul3A_175 = arith.constant 16 : i32
    %mul3A_176 = arith.muli %select_n3A_30, %mul3A_175 : i32
    %add3A_177 = arith.constant 0 : i32
    %add3A_178 = arith.addi %mul3A_176, %add3A_177 : i32
    %dma_start3A_179 = arith.constant 0 : i32
    %dma_start3A_180 = arith.constant 6 : i32
    %dma_start3A_181 = arith.constant 0 : i32
    %dma_start3A_182 = arith.constant 0 : i32
    %dma_start3A_183 = tpu.memref_slice %arg5[%dma_start3A_179, %dma_start3A_180, %dma_start3A_181, %dma_start3A_182] : memref<2x8x8x128xf32, #tpu.memory_space<vmem>> -> memref<1x1x8x128xf32, #tpu.memory_space<vmem>>
    %dma_start3A_184 = tpu.memref_squeeze %dma_start3A_183 : memref<1x1x8x128xf32, #tpu.memory_space<vmem>> -> memref<8x128xf32, #tpu.memory_space<vmem>>
    %dma_start3A_185 = arith.constant 768 : i32
    %dma_start3A_186 = tpu.memref_slice %arg3[%select_n3A, %add3A_178, %dma_start3A_185] : memref<16x32x1024xf32, #tpu.memory_space<hbm>> -> memref<1x8x128xf32, #tpu.memory_space<hbm>>
    %dma_start3A_187 = tpu.memref_squeeze %dma_start3A_186 : memref<1x8x128xf32, #tpu.memory_space<hbm>> -> memref<8x128xf32, #tpu.memory_space<hbm>>
    %dma_start3A_188 = arith.constant 768 : i32
    %dma_start3A_189 = tpu.memref_slice %arg3[%select_n3A, %add3A_178, %dma_start3A_188] : memref<16x32x1024xf32, #tpu.memory_space<hbm>> -> memref<1x8x128xf32, #tpu.memory_space<hbm>>
    %dma_start3A_190 = tpu.memref_squeeze %dma_start3A_189 : memref<1x8x128xf32, #tpu.memory_space<hbm>> -> memref<8x128xf32, #tpu.memory_space<hbm>>
    %dma_start3A_191 = arith.constant 0 : i32
    %dma_start3A_192 = arith.constant 0 : i32
    %dma_start3A_193 = tpu.memref_slice %arg5[%dma_start3A_179, %dma_start3A_180, %dma_start3A_191, %dma_start3A_192] : memref<2x8x8x128xf32, #tpu.memory_space<vmem>> -> memref<1x1x8x128xf32, #tpu.memory_space<vmem>>
    %dma_start3A_194 = tpu.memref_squeeze %dma_start3A_193 : memref<1x1x8x128xf32, #tpu.memory_space<vmem>> -> memref<8x128xf32, #tpu.memory_space<vmem>>
    tpu.enqueue_dma source(%dma_start3A_194 : memref<8x128xf32, #tpu.memory_space<vmem>>) target(%dma_start3A_190 : memref<8x128xf32, #tpu.memory_space<hbm>>) target_semaphore(%arg6 : memref<!tpu.dma_semaphore, #tpu.memory_space<semaphore_mem>>)
    %mul3A_195 = arith.constant 16 : i32
    %mul3A_196 = arith.muli %select_n3A_30, %mul3A_195 : i32
    %add3A_197 = arith.constant 0 : i32
    %add3A_198 = arith.addi %mul3A_196, %add3A_197 : i32
    %dma_start3A_199 = arith.constant 0 : i32
    %dma_start3A_200 = arith.constant 7 : i32
    %dma_start3A_201 = arith.constant 0 : i32
    %dma_start3A_202 = arith.constant 0 : i32
    %dma_start3A_203 = tpu.memref_slice %arg5[%dma_start3A_199, %dma_start3A_200, %dma_start3A_201, %dma_start3A_202] : memref<2x8x8x128xf32, #tpu.memory_space<vmem>> -> memref<1x1x8x128xf32, #tpu.memory_space<vmem>>
    %dma_start3A_204 = tpu.memref_squeeze %dma_start3A_203 : memref<1x1x8x128xf32, #tpu.memory_space<vmem>> -> memref<8x128xf32, #tpu.memory_space<vmem>>
    %dma_start3A_205 = arith.constant 896 : i32
    %dma_start3A_206 = tpu.memref_slice %arg3[%select_n3A, %add3A_198, %dma_start3A_205] : memref<16x32x1024xf32, #tpu.memory_space<hbm>> -> memref<1x8x128xf32, #tpu.memory_space<hbm>>
    %dma_start3A_207 = tpu.memref_squeeze %dma_start3A_206 : memref<1x8x128xf32, #tpu.memory_space<hbm>> -> memref<8x128xf32, #tpu.memory_space<hbm>>
    %dma_start3A_208 = arith.constant 896 : i32
    %dma_start3A_209 = tpu.memref_slice %arg3[%select_n3A, %add3A_198, %dma_start3A_208] : memref<16x32x1024xf32, #tpu.memory_space<hbm>> -> memref<1x8x128xf32, #tpu.memory_space<hbm>>
    %dma_start3A_210 = tpu.memref_squeeze %dma_start3A_209 : memref<1x8x128xf32, #tpu.memory_space<hbm>> -> memref<8x128xf32, #tpu.memory_space<hbm>>
    %dma_start3A_211 = arith.constant 0 : i32
    %dma_start3A_212 = arith.constant 0 : i32
    %dma_start3A_213 = tpu.memref_slice %arg5[%dma_start3A_199, %dma_start3A_200, %dma_start3A_211, %dma_start3A_212] : memref<2x8x8x128xf32, #tpu.memory_space<vmem>> -> memref<1x1x8x128xf32, #tpu.memory_space<vmem>>
    %dma_start3A_214 = tpu.memref_squeeze %dma_start3A_213 : memref<1x1x8x128xf32, #tpu.memory_space<vmem>> -> memref<8x128xf32, #tpu.memory_space<vmem>>
    tpu.enqueue_dma source(%dma_start3A_214 : memref<8x128xf32, #tpu.memory_space<vmem>>) target(%dma_start3A_210 : memref<8x128xf32, #tpu.memory_space<hbm>>) target_semaphore(%arg6 : memref<!tpu.dma_semaphore, #tpu.memory_space<semaphore_mem>>)
    %mul3A_215 = arith.constant 16 : i32
    %mul3A_216 = arith.muli %select_n3A_30, %mul3A_215 : i32
    %add3A_217 = arith.constant 8 : i32
    %add3A_218 = arith.addi %mul3A_216, %add3A_217 : i32
    %dma_start3A_219 = arith.constant 1 : i32
    %dma_start3A_220 = arith.constant 0 : i32
    %dma_start3A_221 = arith.constant 0 : i32
    %dma_start3A_222 = arith.constant 0 : i32
    %dma_start3A_223 = tpu.memref_slice %arg5[%dma_start3A_219, %dma_start3A_220, %dma_start3A_221, %dma_start3A_222] : memref<2x8x8x128xf32, #tpu.memory_space<vmem>> -> memref<1x1x8x128xf32, #tpu.memory_space<vmem>>
    %dma_start3A_224 = tpu.memref_squeeze %dma_start3A_223 : memref<1x1x8x128xf32, #tpu.memory_space<vmem>> -> memref<8x128xf32, #tpu.memory_space<vmem>>
    %dma_start3A_225 = arith.constant 0 : i32
    %dma_start3A_226 = tpu.memref_slice %arg3[%select_n3A, %add3A_218, %dma_start3A_225] : memref<16x32x1024xf32, #tpu.memory_space<hbm>> -> memref<1x8x128xf32, #tpu.memory_space<hbm>>
    %dma_start3A_227 = tpu.memref_squeeze %dma_start3A_226 : memref<1x8x128xf32, #tpu.memory_space<hbm>> -> memref<8x128xf32, #tpu.memory_space<hbm>>
    %dma_start3A_228 = arith.constant 0 : i32
    %dma_start3A_229 = tpu.memref_slice %arg3[%select_n3A, %add3A_218, %dma_start3A_228] : memref<16x32x1024xf32, #tpu.memory_space<hbm>> -> memref<1x8x128xf32, #tpu.memory_space<hbm>>
    %dma_start3A_230 = tpu.memref_squeeze %dma_start3A_229 : memref<1x8x128xf32, #tpu.memory_space<hbm>> -> memref<8x128xf32, #tpu.memory_space<hbm>>
    %dma_start3A_231 = arith.constant 0 : i32
    %dma_start3A_232 = arith.constant 0 : i32
    %dma_start3A_233 = tpu.memref_slice %arg5[%dma_start3A_219, %dma_start3A_220, %dma_start3A_231, %dma_start3A_232] : memref<2x8x8x128xf32, #tpu.memory_space<vmem>> -> memref<1x1x8x128xf32, #tpu.memory_space<vmem>>
    %dma_start3A_234 = tpu.memref_squeeze %dma_start3A_233 : memref<1x1x8x128xf32, #tpu.memory_space<vmem>> -> memref<8x128xf32, #tpu.memory_space<vmem>>
    tpu.enqueue_dma source(%dma_start3A_234 : memref<8x128xf32, #tpu.memory_space<vmem>>) target(%dma_start3A_230 : memref<8x128xf32, #tpu.memory_space<hbm>>) target_semaphore(%arg6 : memref<!tpu.dma_semaphore, #tpu.memory_space<semaphore_mem>>)
    %mul3A_235 = arith.constant 16 : i32
    %mul3A_236 = arith.muli %select_n3A_30, %mul3A_235 : i32
    %add3A_237 = arith.constant 8 : i32
    %add3A_238 = arith.addi %mul3A_236, %add3A_237 : i32
    %dma_start3A_239 = arith.constant 1 : i32
    %dma_start3A_240 = arith.constant 1 : i32
    %dma_start3A_241 = arith.constant 0 : i32
    %dma_start3A_242 = arith.constant 0 : i32
    %dma_start3A_243 = tpu.memref_slice %arg5[%dma_start3A_239, %dma_start3A_240, %dma_start3A_241, %dma_start3A_242] : memref<2x8x8x128xf32, #tpu.memory_space<vmem>> -> memref<1x1x8x128xf32, #tpu.memory_space<vmem>>
    %dma_start3A_244 = tpu.memref_squeeze %dma_start3A_243 : memref<1x1x8x128xf32, #tpu.memory_space<vmem>> -> memref<8x128xf32, #tpu.memory_space<vmem>>
    %dma_start3A_245 = arith.constant 128 : i32
    %dma_start3A_246 = tpu.memref_slice %arg3[%select_n3A, %add3A_238, %dma_start3A_245] : memref<16x32x1024xf32, #tpu.memory_space<hbm>> -> memref<1x8x128xf32, #tpu.memory_space<hbm>>
    %dma_start3A_247 = tpu.memref_squeeze %dma_start3A_246 : memref<1x8x128xf32, #tpu.memory_space<hbm>> -> memref<8x128xf32, #tpu.memory_space<hbm>>
    %dma_start3A_248 = arith.constant 128 : i32
    %dma_start3A_249 = tpu.memref_slice %arg3[%select_n3A, %add3A_238, %dma_start3A_248] : memref<16x32x1024xf32, #tpu.memory_space<hbm>> -> memref<1x8x128xf32, #tpu.memory_space<hbm>>
    %dma_start3A_250 = tpu.memref_squeeze %dma_start3A_249 : memref<1x8x128xf32, #tpu.memory_space<hbm>> -> memref<8x128xf32, #tpu.memory_space<hbm>>
    %dma_start3A_251 = arith.constant 0 : i32
    %dma_start3A_252 = arith.constant 0 : i32
    %dma_start3A_253 = tpu.memref_slice %arg5[%dma_start3A_239, %dma_start3A_240, %dma_start3A_251, %dma_start3A_252] : memref<2x8x8x128xf32, #tpu.memory_space<vmem>> -> memref<1x1x8x128xf32, #tpu.memory_space<vmem>>
    %dma_start3A_254 = tpu.memref_squeeze %dma_start3A_253 : memref<1x1x8x128xf32, #tpu.memory_space<vmem>> -> memref<8x128xf32, #tpu.memory_space<vmem>>
    tpu.enqueue_dma source(%dma_start3A_254 : memref<8x128xf32, #tpu.memory_space<vmem>>) target(%dma_start3A_250 : memref<8x128xf32, #tpu.memory_space<hbm>>) target_semaphore(%arg6 : memref<!tpu.dma_semaphore, #tpu.memory_space<semaphore_mem>>)
    %mul3A_255 = arith.constant 16 : i32
    %mul3A_256 = arith.muli %select_n3A_30, %mul3A_255 : i32
    %add3A_257 = arith.constant 8 : i32
    %add3A_258 = arith.addi %mul3A_256, %add3A_257 : i32
    %dma_start3A_259 = arith.constant 1 : i32
    %dma_start3A_260 = arith.constant 2 : i32
    %dma_start3A_261 = arith.constant 0 : i32
    %dma_start3A_262 = arith.constant 0 : i32
    %dma_start3A_263 = tpu.memref_slice %arg5[%dma_start3A_259, %dma_start3A_260, %dma_start3A_261, %dma_start3A_262] : memref<2x8x8x128xf32, #tpu.memory_space<vmem>> -> memref<1x1x8x128xf32, #tpu.memory_space<vmem>>
    %dma_start3A_264 = tpu.memref_squeeze %dma_start3A_263 : memref<1x1x8x128xf32, #tpu.memory_space<vmem>> -> memref<8x128xf32, #tpu.memory_space<vmem>>
    %dma_start3A_265 = arith.constant 256 : i32
    %dma_start3A_266 = tpu.memref_slice %arg3[%select_n3A, %add3A_258, %dma_start3A_265] : memref<16x32x1024xf32, #tpu.memory_space<hbm>> -> memref<1x8x128xf32, #tpu.memory_space<hbm>>
    %dma_start3A_267 = tpu.memref_squeeze %dma_start3A_266 : memref<1x8x128xf32, #tpu.memory_space<hbm>> -> memref<8x128xf32, #tpu.memory_space<hbm>>
    %dma_start3A_268 = arith.constant 256 : i32
    %dma_start3A_269 = tpu.memref_slice %arg3[%select_n3A, %add3A_258, %dma_start3A_268] : memref<16x32x1024xf32, #tpu.memory_space<hbm>> -> memref<1x8x128xf32, #tpu.memory_space<hbm>>
    %dma_start3A_270 = tpu.memref_squeeze %dma_start3A_269 : memref<1x8x128xf32, #tpu.memory_space<hbm>> -> memref<8x128xf32, #tpu.memory_space<hbm>>
    %dma_start3A_271 = arith.constant 0 : i32
    %dma_start3A_272 = arith.constant 0 : i32
    %dma_start3A_273 = tpu.memref_slice %arg5[%dma_start3A_259, %dma_start3A_260, %dma_start3A_271, %dma_start3A_272] : memref<2x8x8x128xf32, #tpu.memory_space<vmem>> -> memref<1x1x8x128xf32, #tpu.memory_space<vmem>>
    %dma_start3A_274 = tpu.memref_squeeze %dma_start3A_273 : memref<1x1x8x128xf32, #tpu.memory_space<vmem>> -> memref<8x128xf32, #tpu.memory_space<vmem>>
    tpu.enqueue_dma source(%dma_start3A_274 : memref<8x128xf32, #tpu.memory_space<vmem>>) target(%dma_start3A_270 : memref<8x128xf32, #tpu.memory_space<hbm>>) target_semaphore(%arg6 : memref<!tpu.dma_semaphore, #tpu.memory_space<semaphore_mem>>)
    %mul3A_275 = arith.constant 16 : i32
    %mul3A_276 = arith.muli %select_n3A_30, %mul3A_275 : i32
    %add3A_277 = arith.constant 8 : i32
    %add3A_278 = arith.addi %mul3A_276, %add3A_277 : i32
    %dma_start3A_279 = arith.constant 1 : i32
    %dma_start3A_280 = arith.constant 3 : i32
    %dma_start3A_281 = arith.constant 0 : i32
    %dma_start3A_282 = arith.constant 0 : i32
    %dma_start3A_283 = tpu.memref_slice %arg5[%dma_start3A_279, %dma_start3A_280, %dma_start3A_281, %dma_start3A_282] : memref<2x8x8x128xf32, #tpu.memory_space<vmem>> -> memref<1x1x8x128xf32, #tpu.memory_space<vmem>>
    %dma_start3A_284 = tpu.memref_squeeze %dma_start3A_283 : memref<1x1x8x128xf32, #tpu.memory_space<vmem>> -> memref<8x128xf32, #tpu.memory_space<vmem>>
    %dma_start3A_285 = arith.constant 384 : i32
    %dma_start3A_286 = tpu.memref_slice %arg3[%select_n3A, %add3A_278, %dma_start3A_285] : memref<16x32x1024xf32, #tpu.memory_space<hbm>> -> memref<1x8x128xf32, #tpu.memory_space<hbm>>
    %dma_start3A_287 = tpu.memref_squeeze %dma_start3A_286 : memref<1x8x128xf32, #tpu.memory_space<hbm>> -> memref<8x128xf32, #tpu.memory_space<hbm>>
    %dma_start3A_288 = arith.constant 384 : i32
    %dma_start3A_289 = tpu.memref_slice %arg3[%select_n3A, %add3A_278, %dma_start3A_288] : memref<16x32x1024xf32, #tpu.memory_space<hbm>> -> memref<1x8x128xf32, #tpu.memory_space<hbm>>
    %dma_start3A_290 = tpu.memref_squeeze %dma_start3A_289 : memref<1x8x128xf32, #tpu.memory_space<hbm>> -> memref<8x128xf32, #tpu.memory_space<hbm>>
    %dma_start3A_291 = arith.constant 0 : i32
    %dma_start3A_292 = arith.constant 0 : i32
    %dma_start3A_293 = tpu.memref_slice %arg5[%dma_start3A_279, %dma_start3A_280, %dma_start3A_291, %dma_start3A_292] : memref<2x8x8x128xf32, #tpu.memory_space<vmem>> -> memref<1x1x8x128xf32, #tpu.memory_space<vmem>>
    %dma_start3A_294 = tpu.memref_squeeze %dma_start3A_293 : memref<1x1x8x128xf32, #tpu.memory_space<vmem>> -> memref<8x128xf32, #tpu.memory_space<vmem>>
    tpu.enqueue_dma source(%dma_start3A_294 : memref<8x128xf32, #tpu.memory_space<vmem>>) target(%dma_start3A_290 : memref<8x128xf32, #tpu.memory_space<hbm>>) target_semaphore(%arg6 : memref<!tpu.dma_semaphore, #tpu.memory_space<semaphore_mem>>)
    %mul3A_295 = arith.constant 16 : i32
    %mul3A_296 = arith.muli %select_n3A_30, %mul3A_295 : i32
    %add3A_297 = arith.constant 8 : i32
    %add3A_298 = arith.addi %mul3A_296, %add3A_297 : i32
    %dma_start3A_299 = arith.constant 1 : i32
    %dma_start3A_300 = arith.constant 4 : i32
    %dma_start3A_301 = arith.constant 0 : i32
    %dma_start3A_302 = arith.constant 0 : i32
    %dma_start3A_303 = tpu.memref_slice %arg5[%dma_start3A_299, %dma_start3A_300, %dma_start3A_301, %dma_start3A_302] : memref<2x8x8x128xf32, #tpu.memory_space<vmem>> -> memref<1x1x8x128xf32, #tpu.memory_space<vmem>>
    %dma_start3A_304 = tpu.memref_squeeze %dma_start3A_303 : memref<1x1x8x128xf32, #tpu.memory_space<vmem>> -> memref<8x128xf32, #tpu.memory_space<vmem>>
    %dma_start3A_305 = arith.constant 512 : i32
    %dma_start3A_306 = tpu.memref_slice %arg3[%select_n3A, %add3A_298, %dma_start3A_305] : memref<16x32x1024xf32, #tpu.memory_space<hbm>> -> memref<1x8x128xf32, #tpu.memory_space<hbm>>
    %dma_start3A_307 = tpu.memref_squeeze %dma_start3A_306 : memref<1x8x128xf32, #tpu.memory_space<hbm>> -> memref<8x128xf32, #tpu.memory_space<hbm>>
    %dma_start3A_308 = arith.constant 512 : i32
    %dma_start3A_309 = tpu.memref_slice %arg3[%select_n3A, %add3A_298, %dma_start3A_308] : memref<16x32x1024xf32, #tpu.memory_space<hbm>> -> memref<1x8x128xf32, #tpu.memory_space<hbm>>
    %dma_start3A_310 = tpu.memref_squeeze %dma_start3A_309 : memref<1x8x128xf32, #tpu.memory_space<hbm>> -> memref<8x128xf32, #tpu.memory_space<hbm>>
    %dma_start3A_311 = arith.constant 0 : i32
    %dma_start3A_312 = arith.constant 0 : i32
    %dma_start3A_313 = tpu.memref_slice %arg5[%dma_start3A_299, %dma_start3A_300, %dma_start3A_311, %dma_start3A_312] : memref<2x8x8x128xf32, #tpu.memory_space<vmem>> -> memref<1x1x8x128xf32, #tpu.memory_space<vmem>>
    %dma_start3A_314 = tpu.memref_squeeze %dma_start3A_313 : memref<1x1x8x128xf32, #tpu.memory_space<vmem>> -> memref<8x128xf32, #tpu.memory_space<vmem>>
    tpu.enqueue_dma source(%dma_start3A_314 : memref<8x128xf32, #tpu.memory_space<vmem>>) target(%dma_start3A_310 : memref<8x128xf32, #tpu.memory_space<hbm>>) target_semaphore(%arg6 : memref<!tpu.dma_semaphore, #tpu.memory_space<semaphore_mem>>)
    %mul3A_315 = arith.constant 16 : i32
    %mul3A_316 = arith.muli %select_n3A_30, %mul3A_315 : i32
    %add3A_317 = arith.constant 8 : i32
    %add3A_318 = arith.addi %mul3A_316, %add3A_317 : i32
    %dma_start3A_319 = arith.constant 1 : i32
    %dma_start3A_320 = arith.constant 5 : i32
    %dma_start3A_321 = arith.constant 0 : i32
    %dma_start3A_322 = arith.constant 0 : i32
    %dma_start3A_323 = tpu.memref_slice %arg5[%dma_start3A_319, %dma_start3A_320, %dma_start3A_321, %dma_start3A_322] : memref<2x8x8x128xf32, #tpu.memory_space<vmem>> -> memref<1x1x8x128xf32, #tpu.memory_space<vmem>>
    %dma_start3A_324 = tpu.memref_squeeze %dma_start3A_323 : memref<1x1x8x128xf32, #tpu.memory_space<vmem>> -> memref<8x128xf32, #tpu.memory_space<vmem>>
    %dma_start3A_325 = arith.constant 640 : i32
    %dma_start3A_326 = tpu.memref_slice %arg3[%select_n3A, %add3A_318, %dma_start3A_325] : memref<16x32x1024xf32, #tpu.memory_space<hbm>> -> memref<1x8x128xf32, #tpu.memory_space<hbm>>
    %dma_start3A_327 = tpu.memref_squeeze %dma_start3A_326 : memref<1x8x128xf32, #tpu.memory_space<hbm>> -> memref<8x128xf32, #tpu.memory_space<hbm>>
    %dma_start3A_328 = arith.constant 640 : i32
    %dma_start3A_329 = tpu.memref_slice %arg3[%select_n3A, %add3A_318, %dma_start3A_328] : memref<16x32x1024xf32, #tpu.memory_space<hbm>> -> memref<1x8x128xf32, #tpu.memory_space<hbm>>
    %dma_start3A_330 = tpu.memref_squeeze %dma_start3A_329 : memref<1x8x128xf32, #tpu.memory_space<hbm>> -> memref<8x128xf32, #tpu.memory_space<hbm>>
    %dma_start3A_331 = arith.constant 0 : i32
    %dma_start3A_332 = arith.constant 0 : i32
    %dma_start3A_333 = tpu.memref_slice %arg5[%dma_start3A_319, %dma_start3A_320, %dma_start3A_331, %dma_start3A_332] : memref<2x8x8x128xf32, #tpu.memory_space<vmem>> -> memref<1x1x8x128xf32, #tpu.memory_space<vmem>>
    %dma_start3A_334 = tpu.memref_squeeze %dma_start3A_333 : memref<1x1x8x128xf32, #tpu.memory_space<vmem>> -> memref<8x128xf32, #tpu.memory_space<vmem>>
    tpu.enqueue_dma source(%dma_start3A_334 : memref<8x128xf32, #tpu.memory_space<vmem>>) target(%dma_start3A_330 : memref<8x128xf32, #tpu.memory_space<hbm>>) target_semaphore(%arg6 : memref<!tpu.dma_semaphore, #tpu.memory_space<semaphore_mem>>)
    %mul3A_335 = arith.constant 16 : i32
    %mul3A_336 = arith.muli %select_n3A_30, %mul3A_335 : i32
    %add3A_337 = arith.constant 8 : i32
    %add3A_338 = arith.addi %mul3A_336, %add3A_337 : i32
    %dma_start3A_339 = arith.constant 1 : i32
    %dma_start3A_340 = arith.constant 6 : i32
    %dma_start3A_341 = arith.constant 0 : i32
    %dma_start3A_342 = arith.constant 0 : i32
    %dma_start3A_343 = tpu.memref_slice %arg5[%dma_start3A_339, %dma_start3A_340, %dma_start3A_341, %dma_start3A_342] : memref<2x8x8x128xf32, #tpu.memory_space<vmem>> -> memref<1x1x8x128xf32, #tpu.memory_space<vmem>>
    %dma_start3A_344 = tpu.memref_squeeze %dma_start3A_343 : memref<1x1x8x128xf32, #tpu.memory_space<vmem>> -> memref<8x128xf32, #tpu.memory_space<vmem>>
    %dma_start3A_345 = arith.constant 768 : i32
    %dma_start3A_346 = tpu.memref_slice %arg3[%select_n3A, %add3A_338, %dma_start3A_345] : memref<16x32x1024xf32, #tpu.memory_space<hbm>> -> memref<1x8x128xf32, #tpu.memory_space<hbm>>
    %dma_start3A_347 = tpu.memref_squeeze %dma_start3A_346 : memref<1x8x128xf32, #tpu.memory_space<hbm>> -> memref<8x128xf32, #tpu.memory_space<hbm>>
    %dma_start3A_348 = arith.constant 768 : i32
    %dma_start3A_349 = tpu.memref_slice %arg3[%select_n3A, %add3A_338, %dma_start3A_348] : memref<16x32x1024xf32, #tpu.memory_space<hbm>> -> memref<1x8x128xf32, #tpu.memory_space<hbm>>
    %dma_start3A_350 = tpu.memref_squeeze %dma_start3A_349 : memref<1x8x128xf32, #tpu.memory_space<hbm>> -> memref<8x128xf32, #tpu.memory_space<hbm>>
    %dma_start3A_351 = arith.constant 0 : i32
    %dma_start3A_352 = arith.constant 0 : i32
    %dma_start3A_353 = tpu.memref_slice %arg5[%dma_start3A_339, %dma_start3A_340, %dma_start3A_351, %dma_start3A_352] : memref<2x8x8x128xf32, #tpu.memory_space<vmem>> -> memref<1x1x8x128xf32, #tpu.memory_space<vmem>>
    %dma_start3A_354 = tpu.memref_squeeze %dma_start3A_353 : memref<1x1x8x128xf32, #tpu.memory_space<vmem>> -> memref<8x128xf32, #tpu.memory_space<vmem>>
    tpu.enqueue_dma source(%dma_start3A_354 : memref<8x128xf32, #tpu.memory_space<vmem>>) target(%dma_start3A_350 : memref<8x128xf32, #tpu.memory_space<hbm>>) target_semaphore(%arg6 : memref<!tpu.dma_semaphore, #tpu.memory_space<semaphore_mem>>)
    %mul3A_355 = arith.constant 16 : i32
    %mul3A_356 = arith.muli %select_n3A_30, %mul3A_355 : i32
    %add3A_357 = arith.constant 8 : i32
    %add3A_358 = arith.addi %mul3A_356, %add3A_357 : i32
    %dma_start3A_359 = arith.constant 1 : i32
    %dma_start3A_360 = arith.constant 7 : i32
    %dma_start3A_361 = arith.constant 0 : i32
    %dma_start3A_362 = arith.constant 0 : i32
    %dma_start3A_363 = tpu.memref_slice %arg5[%dma_start3A_359, %dma_start3A_360, %dma_start3A_361, %dma_start3A_362] : memref<2x8x8x128xf32, #tpu.memory_space<vmem>> -> memref<1x1x8x128xf32, #tpu.memory_space<vmem>>
    %dma_start3A_364 = tpu.memref_squeeze %dma_start3A_363 : memref<1x1x8x128xf32, #tpu.memory_space<vmem>> -> memref<8x128xf32, #tpu.memory_space<vmem>>
    %dma_start3A_365 = arith.constant 896 : i32
    %dma_start3A_366 = tpu.memref_slice %arg3[%select_n3A, %add3A_358, %dma_start3A_365] : memref<16x32x1024xf32, #tpu.memory_space<hbm>> -> memref<1x8x128xf32, #tpu.memory_space<hbm>>
    %dma_start3A_367 = tpu.memref_squeeze %dma_start3A_366 : memref<1x8x128xf32, #tpu.memory_space<hbm>> -> memref<8x128xf32, #tpu.memory_space<hbm>>
    %dma_start3A_368 = arith.constant 896 : i32
    %dma_start3A_369 = tpu.memref_slice %arg3[%select_n3A, %add3A_358, %dma_start3A_368] : memref<16x32x1024xf32, #tpu.memory_space<hbm>> -> memref<1x8x128xf32, #tpu.memory_space<hbm>>
    %dma_start3A_370 = tpu.memref_squeeze %dma_start3A_369 : memref<1x8x128xf32, #tpu.memory_space<hbm>> -> memref<8x128xf32, #tpu.memory_space<hbm>>
    %dma_start3A_371 = arith.constant 0 : i32
    %dma_start3A_372 = arith.constant 0 : i32
    %dma_start3A_373 = tpu.memref_slice %arg5[%dma_start3A_359, %dma_start3A_360, %dma_start3A_371, %dma_start3A_372] : memref<2x8x8x128xf32, #tpu.memory_space<vmem>> -> memref<1x1x8x128xf32, #tpu.memory_space<vmem>>
    %dma_start3A_374 = tpu.memref_squeeze %dma_start3A_373 : memref<1x1x8x128xf32, #tpu.memory_space<vmem>> -> memref<8x128xf32, #tpu.memory_space<vmem>>
    tpu.enqueue_dma source(%dma_start3A_374 : memref<8x128xf32, #tpu.memory_space<vmem>>) target(%dma_start3A_370 : memref<8x128xf32, #tpu.memory_space<hbm>>) target_semaphore(%arg6 : memref<!tpu.dma_semaphore, #tpu.memory_space<semaphore_mem>>)
    %dma_wait3A_375 = arith.constant 0 : i32
    %dma_wait3A_376 = arith.constant 0 : i32
    %dma_wait3A_377 = arith.constant 0 : i32
    %dma_wait3A_378 = arith.constant 0 : i32
    %dma_wait3A_379 = tpu.memref_slice %arg5[%dma_wait3A_375, %dma_wait3A_376, %dma_wait3A_377, %dma_wait3A_378] : memref<2x8x8x128xf32, #tpu.memory_space<vmem>> -> memref<1x1x8x128xf32, #tpu.memory_space<vmem>>
    %dma_wait3A_380 = tpu.memref_squeeze %dma_wait3A_379 : memref<1x1x8x128xf32, #tpu.memory_space<vmem>> -> memref<8x128xf32, #tpu.memory_space<vmem>>
    %dma_wait3A_381 = arith.constant 0 : i32
    %dma_wait3A_382 = tpu.memref_slice %arg3[%select_n3A, %add3A_58, %dma_wait3A_381] : memref<16x32x1024xf32, #tpu.memory_space<hbm>> -> memref<1x8x128xf32, #tpu.memory_space<hbm>>
    %dma_wait3A_383 = tpu.memref_squeeze %dma_wait3A_382 : memref<1x8x128xf32, #tpu.memory_space<hbm>> -> memref<8x128xf32, #tpu.memory_space<hbm>>
    %dma_wait3A_384 = arith.constant 0 : i32
    %dma_wait3A_385 = tpu.memref_slice %arg3[%select_n3A, %add3A_58, %dma_wait3A_384] : memref<16x32x1024xf32, #tpu.memory_space<hbm>> -> memref<1x8x128xf32, #tpu.memory_space<hbm>>
    %dma_wait3A_386 = tpu.memref_squeeze %dma_wait3A_385 : memref<1x8x128xf32, #tpu.memory_space<hbm>> -> memref<8x128xf32, #tpu.memory_space<hbm>>
    %dma_wait3A_387 = arith.constant 0 : i32
    %dma_wait3A_388 = arith.constant 0 : i32
    %dma_wait3A_389 = tpu.memref_slice %arg5[%dma_wait3A_375, %dma_wait3A_376, %dma_wait3A_387, %dma_wait3A_388] : memref<2x8x8x128xf32, #tpu.memory_space<vmem>> -> memref<1x1x8x128xf32, #tpu.memory_space<vmem>>
    %dma_wait3A_390 = tpu.memref_squeeze %dma_wait3A_389 : memref<1x1x8x128xf32, #tpu.memory_space<vmem>> -> memref<8x128xf32, #tpu.memory_space<vmem>>
    tpu.wait_dma2 semaphore(%arg6 : memref<!tpu.dma_semaphore, #tpu.memory_space<semaphore_mem>>) src(%dma_wait3A_390 : memref<8x128xf32, #tpu.memory_space<vmem>>) dst(%dma_wait3A_386 : memref<8x128xf32, #tpu.memory_space<hbm>>)
    %dma_wait3A_391 = arith.constant 0 : i32
    %dma_wait3A_392 = arith.constant 1 : i32
    %dma_wait3A_393 = arith.constant 0 : i32
    %dma_wait3A_394 = arith.constant 0 : i32
    %dma_wait3A_395 = tpu.memref_slice %arg5[%dma_wait3A_391, %dma_wait3A_392, %dma_wait3A_393, %dma_wait3A_394] : memref<2x8x8x128xf32, #tpu.memory_space<vmem>> -> memref<1x1x8x128xf32, #tpu.memory_space<vmem>>
    %dma_wait3A_396 = tpu.memref_squeeze %dma_wait3A_395 : memref<1x1x8x128xf32, #tpu.memory_space<vmem>> -> memref<8x128xf32, #tpu.memory_space<vmem>>
    %dma_wait3A_397 = arith.constant 128 : i32
    %dma_wait3A_398 = tpu.memref_slice %arg3[%select_n3A, %add3A_78, %dma_wait3A_397] : memref<16x32x1024xf32, #tpu.memory_space<hbm>> -> memref<1x8x128xf32, #tpu.memory_space<hbm>>
    %dma_wait3A_399 = tpu.memref_squeeze %dma_wait3A_398 : memref<1x8x128xf32, #tpu.memory_space<hbm>> -> memref<8x128xf32, #tpu.memory_space<hbm>>
    %dma_wait3A_400 = arith.constant 128 : i32
    %dma_wait3A_401 = tpu.memref_slice %arg3[%select_n3A, %add3A_78, %dma_wait3A_400] : memref<16x32x1024xf32, #tpu.memory_space<hbm>> -> memref<1x8x128xf32, #tpu.memory_space<hbm>>
    %dma_wait3A_402 = tpu.memref_squeeze %dma_wait3A_401 : memref<1x8x128xf32, #tpu.memory_space<hbm>> -> memref<8x128xf32, #tpu.memory_space<hbm>>
    %dma_wait3A_403 = arith.constant 0 : i32
    %dma_wait3A_404 = arith.constant 0 : i32
    %dma_wait3A_405 = tpu.memref_slice %arg5[%dma_wait3A_391, %dma_wait3A_392, %dma_wait3A_403, %dma_wait3A_404] : memref<2x8x8x128xf32, #tpu.memory_space<vmem>> -> memref<1x1x8x128xf32, #tpu.memory_space<vmem>>
    %dma_wait3A_406 = tpu.memref_squeeze %dma_wait3A_405 : memref<1x1x8x128xf32, #tpu.memory_space<vmem>> -> memref<8x128xf32, #tpu.memory_space<vmem>>
    tpu.wait_dma2 semaphore(%arg6 : memref<!tpu.dma_semaphore, #tpu.memory_space<semaphore_mem>>) src(%dma_wait3A_406 : memref<8x128xf32, #tpu.memory_space<vmem>>) dst(%dma_wait3A_402 : memref<8x128xf32, #tpu.memory_space<hbm>>)
    %dma_wait3A_407 = arith.constant 0 : i32
    %dma_wait3A_408 = arith.constant 2 : i32
    %dma_wait3A_409 = arith.constant 0 : i32
    %dma_wait3A_410 = arith.constant 0 : i32
    %dma_wait3A_411 = tpu.memref_slice %arg5[%dma_wait3A_407, %dma_wait3A_408, %dma_wait3A_409, %dma_wait3A_410] : memref<2x8x8x128xf32, #tpu.memory_space<vmem>> -> memref<1x1x8x128xf32, #tpu.memory_space<vmem>>
    %dma_wait3A_412 = tpu.memref_squeeze %dma_wait3A_411 : memref<1x1x8x128xf32, #tpu.memory_space<vmem>> -> memref<8x128xf32, #tpu.memory_space<vmem>>
    %dma_wait3A_413 = arith.constant 256 : i32
    %dma_wait3A_414 = tpu.memref_slice %arg3[%select_n3A, %add3A_98, %dma_wait3A_413] : memref<16x32x1024xf32, #tpu.memory_space<hbm>> -> memref<1x8x128xf32, #tpu.memory_space<hbm>>
    %dma_wait3A_415 = tpu.memref_squeeze %dma_wait3A_414 : memref<1x8x128xf32, #tpu.memory_space<hbm>> -> memref<8x128xf32, #tpu.memory_space<hbm>>
    %dma_wait3A_416 = arith.constant 256 : i32
    %dma_wait3A_417 = tpu.memref_slice %arg3[%select_n3A, %add3A_98, %dma_wait3A_416] : memref<16x32x1024xf32, #tpu.memory_space<hbm>> -> memref<1x8x128xf32, #tpu.memory_space<hbm>>
    %dma_wait3A_418 = tpu.memref_squeeze %dma_wait3A_417 : memref<1x8x128xf32, #tpu.memory_space<hbm>> -> memref<8x128xf32, #tpu.memory_space<hbm>>
    %dma_wait3A_419 = arith.constant 0 : i32
    %dma_wait3A_420 = arith.constant 0 : i32
    %dma_wait3A_421 = tpu.memref_slice %arg5[%dma_wait3A_407, %dma_wait3A_408, %dma_wait3A_419, %dma_wait3A_420] : memref<2x8x8x128xf32, #tpu.memory_space<vmem>> -> memref<1x1x8x128xf32, #tpu.memory_space<vmem>>
    %dma_wait3A_422 = tpu.memref_squeeze %dma_wait3A_421 : memref<1x1x8x128xf32, #tpu.memory_space<vmem>> -> memref<8x128xf32, #tpu.memory_space<vmem>>
    tpu.wait_dma2 semaphore(%arg6 : memref<!tpu.dma_semaphore, #tpu.memory_space<semaphore_mem>>) src(%dma_wait3A_422 : memref<8x128xf32, #tpu.memory_space<vmem>>) dst(%dma_wait3A_418 : memref<8x128xf32, #tpu.memory_space<hbm>>)
    %dma_wait3A_423 = arith.constant 0 : i32
    %dma_wait3A_424 = arith.constant 3 : i32
    %dma_wait3A_425 = arith.constant 0 : i32
    %dma_wait3A_426 = arith.constant 0 : i32
    %dma_wait3A_427 = tpu.memref_slice %arg5[%dma_wait3A_423, %dma_wait3A_424, %dma_wait3A_425, %dma_wait3A_426] : memref<2x8x8x128xf32, #tpu.memory_space<vmem>> -> memref<1x1x8x128xf32, #tpu.memory_space<vmem>>
    %dma_wait3A_428 = tpu.memref_squeeze %dma_wait3A_427 : memref<1x1x8x128xf32, #tpu.memory_space<vmem>> -> memref<8x128xf32, #tpu.memory_space<vmem>>
    %dma_wait3A_429 = arith.constant 384 : i32
    %dma_wait3A_430 = tpu.memref_slice %arg3[%select_n3A, %add3A_118, %dma_wait3A_429] : memref<16x32x1024xf32, #tpu.memory_space<hbm>> -> memref<1x8x128xf32, #tpu.memory_space<hbm>>
    %dma_wait3A_431 = tpu.memref_squeeze %dma_wait3A_430 : memref<1x8x128xf32, #tpu.memory_space<hbm>> -> memref<8x128xf32, #tpu.memory_space<hbm>>
    %dma_wait3A_432 = arith.constant 384 : i32
    %dma_wait3A_433 = tpu.memref_slice %arg3[%select_n3A, %add3A_118, %dma_wait3A_432] : memref<16x32x1024xf32, #tpu.memory_space<hbm>> -> memref<1x8x128xf32, #tpu.memory_space<hbm>>
    %dma_wait3A_434 = tpu.memref_squeeze %dma_wait3A_433 : memref<1x8x128xf32, #tpu.memory_space<hbm>> -> memref<8x128xf32, #tpu.memory_space<hbm>>
    %dma_wait3A_435 = arith.constant 0 : i32
    %dma_wait3A_436 = arith.constant 0 : i32
    %dma_wait3A_437 = tpu.memref_slice %arg5[%dma_wait3A_423, %dma_wait3A_424, %dma_wait3A_435, %dma_wait3A_436] : memref<2x8x8x128xf32, #tpu.memory_space<vmem>> -> memref<1x1x8x128xf32, #tpu.memory_space<vmem>>
    %dma_wait3A_438 = tpu.memref_squeeze %dma_wait3A_437 : memref<1x1x8x128xf32, #tpu.memory_space<vmem>> -> memref<8x128xf32, #tpu.memory_space<vmem>>
    tpu.wait_dma2 semaphore(%arg6 : memref<!tpu.dma_semaphore, #tpu.memory_space<semaphore_mem>>) src(%dma_wait3A_438 : memref<8x128xf32, #tpu.memory_space<vmem>>) dst(%dma_wait3A_434 : memref<8x128xf32, #tpu.memory_space<hbm>>)
    %dma_wait3A_439 = arith.constant 0 : i32
    %dma_wait3A_440 = arith.constant 4 : i32
    %dma_wait3A_441 = arith.constant 0 : i32
    %dma_wait3A_442 = arith.constant 0 : i32
    %dma_wait3A_443 = tpu.memref_slice %arg5[%dma_wait3A_439, %dma_wait3A_440, %dma_wait3A_441, %dma_wait3A_442] : memref<2x8x8x128xf32, #tpu.memory_space<vmem>> -> memref<1x1x8x128xf32, #tpu.memory_space<vmem>>
    %dma_wait3A_444 = tpu.memref_squeeze %dma_wait3A_443 : memref<1x1x8x128xf32, #tpu.memory_space<vmem>> -> memref<8x128xf32, #tpu.memory_space<vmem>>
    %dma_wait3A_445 = arith.constant 512 : i32
    %dma_wait3A_446 = tpu.memref_slice %arg3[%select_n3A, %add3A_138, %dma_wait3A_445] : memref<16x32x1024xf32, #tpu.memory_space<hbm>> -> memref<1x8x128xf32, #tpu.memory_space<hbm>>
    %dma_wait3A_447 = tpu.memref_squeeze %dma_wait3A_446 : memref<1x8x128xf32, #tpu.memory_space<hbm>> -> memref<8x128xf32, #tpu.memory_space<hbm>>
    %dma_wait3A_448 = arith.constant 512 : i32
    %dma_wait3A_449 = tpu.memref_slice %arg3[%select_n3A, %add3A_138, %dma_wait3A_448] : memref<16x32x1024xf32, #tpu.memory_space<hbm>> -> memref<1x8x128xf32, #tpu.memory_space<hbm>>
    %dma_wait3A_450 = tpu.memref_squeeze %dma_wait3A_449 : memref<1x8x128xf32, #tpu.memory_space<hbm>> -> memref<8x128xf32, #tpu.memory_space<hbm>>
    %dma_wait3A_451 = arith.constant 0 : i32
    %dma_wait3A_452 = arith.constant 0 : i32
    %dma_wait3A_453 = tpu.memref_slice %arg5[%dma_wait3A_439, %dma_wait3A_440, %dma_wait3A_451, %dma_wait3A_452] : memref<2x8x8x128xf32, #tpu.memory_space<vmem>> -> memref<1x1x8x128xf32, #tpu.memory_space<vmem>>
    %dma_wait3A_454 = tpu.memref_squeeze %dma_wait3A_453 : memref<1x1x8x128xf32, #tpu.memory_space<vmem>> -> memref<8x128xf32, #tpu.memory_space<vmem>>
    tpu.wait_dma2 semaphore(%arg6 : memref<!tpu.dma_semaphore, #tpu.memory_space<semaphore_mem>>) src(%dma_wait3A_454 : memref<8x128xf32, #tpu.memory_space<vmem>>) dst(%dma_wait3A_450 : memref<8x128xf32, #tpu.memory_space<hbm>>)
    %dma_wait3A_455 = arith.constant 0 : i32
    %dma_wait3A_456 = arith.constant 5 : i32
    %dma_wait3A_457 = arith.constant 0 : i32
    %dma_wait3A_458 = arith.constant 0 : i32
    %dma_wait3A_459 = tpu.memref_slice %arg5[%dma_wait3A_455, %dma_wait3A_456, %dma_wait3A_457, %dma_wait3A_458] : memref<2x8x8x128xf32, #tpu.memory_space<vmem>> -> memref<1x1x8x128xf32, #tpu.memory_space<vmem>>
    %dma_wait3A_460 = tpu.memref_squeeze %dma_wait3A_459 : memref<1x1x8x128xf32, #tpu.memory_space<vmem>> -> memref<8x128xf32, #tpu.memory_space<vmem>>
    %dma_wait3A_461 = arith.constant 640 : i32
    %dma_wait3A_462 = tpu.memref_slice %arg3[%select_n3A, %add3A_158, %dma_wait3A_461] : memref<16x32x1024xf32, #tpu.memory_space<hbm>> -> memref<1x8x128xf32, #tpu.memory_space<hbm>>
    %dma_wait3A_463 = tpu.memref_squeeze %dma_wait3A_462 : memref<1x8x128xf32, #tpu.memory_space<hbm>> -> memref<8x128xf32, #tpu.memory_space<hbm>>
    %dma_wait3A_464 = arith.constant 640 : i32
    %dma_wait3A_465 = tpu.memref_slice %arg3[%select_n3A, %add3A_158, %dma_wait3A_464] : memref<16x32x1024xf32, #tpu.memory_space<hbm>> -> memref<1x8x128xf32, #tpu.memory_space<hbm>>
    %dma_wait3A_466 = tpu.memref_squeeze %dma_wait3A_465 : memref<1x8x128xf32, #tpu.memory_space<hbm>> -> memref<8x128xf32, #tpu.memory_space<hbm>>
    %dma_wait3A_467 = arith.constant 0 : i32
    %dma_wait3A_468 = arith.constant 0 : i32
    %dma_wait3A_469 = tpu.memref_slice %arg5[%dma_wait3A_455, %dma_wait3A_456, %dma_wait3A_467, %dma_wait3A_468] : memref<2x8x8x128xf32, #tpu.memory_space<vmem>> -> memref<1x1x8x128xf32, #tpu.memory_space<vmem>>
    %dma_wait3A_470 = tpu.memref_squeeze %dma_wait3A_469 : memref<1x1x8x128xf32, #tpu.memory_space<vmem>> -> memref<8x128xf32, #tpu.memory_space<vmem>>
    tpu.wait_dma2 semaphore(%arg6 : memref<!tpu.dma_semaphore, #tpu.memory_space<semaphore_mem>>) src(%dma_wait3A_470 : memref<8x128xf32, #tpu.memory_space<vmem>>) dst(%dma_wait3A_466 : memref<8x128xf32, #tpu.memory_space<hbm>>)
    %dma_wait3A_471 = arith.constant 0 : i32
    %dma_wait3A_472 = arith.constant 6 : i32
    %dma_wait3A_473 = arith.constant 0 : i32
    %dma_wait3A_474 = arith.constant 0 : i32
    %dma_wait3A_475 = tpu.memref_slice %arg5[%dma_wait3A_471, %dma_wait3A_472, %dma_wait3A_473, %dma_wait3A_474] : memref<2x8x8x128xf32, #tpu.memory_space<vmem>> -> memref<1x1x8x128xf32, #tpu.memory_space<vmem>>
    %dma_wait3A_476 = tpu.memref_squeeze %dma_wait3A_475 : memref<1x1x8x128xf32, #tpu.memory_space<vmem>> -> memref<8x128xf32, #tpu.memory_space<vmem>>
    %dma_wait3A_477 = arith.constant 768 : i32
    %dma_wait3A_478 = tpu.memref_slice %arg3[%select_n3A, %add3A_178, %dma_wait3A_477] : memref<16x32x1024xf32, #tpu.memory_space<hbm>> -> memref<1x8x128xf32, #tpu.memory_space<hbm>>
    %dma_wait3A_479 = tpu.memref_squeeze %dma_wait3A_478 : memref<1x8x128xf32, #tpu.memory_space<hbm>> -> memref<8x128xf32, #tpu.memory_space<hbm>>
    %dma_wait3A_480 = arith.constant 768 : i32
    %dma_wait3A_481 = tpu.memref_slice %arg3[%select_n3A, %add3A_178, %dma_wait3A_480] : memref<16x32x1024xf32, #tpu.memory_space<hbm>> -> memref<1x8x128xf32, #tpu.memory_space<hbm>>
    %dma_wait3A_482 = tpu.memref_squeeze %dma_wait3A_481 : memref<1x8x128xf32, #tpu.memory_space<hbm>> -> memref<8x128xf32, #tpu.memory_space<hbm>>
    %dma_wait3A_483 = arith.constant 0 : i32
    %dma_wait3A_484 = arith.constant 0 : i32
    %dma_wait3A_485 = tpu.memref_slice %arg5[%dma_wait3A_471, %dma_wait3A_472, %dma_wait3A_483, %dma_wait3A_484] : memref<2x8x8x128xf32, #tpu.memory_space<vmem>> -> memref<1x1x8x128xf32, #tpu.memory_space<vmem>>
    %dma_wait3A_486 = tpu.memref_squeeze %dma_wait3A_485 : memref<1x1x8x128xf32, #tpu.memory_space<vmem>> -> memref<8x128xf32, #tpu.memory_space<vmem>>
    tpu.wait_dma2 semaphore(%arg6 : memref<!tpu.dma_semaphore, #tpu.memory_space<semaphore_mem>>) src(%dma_wait3A_486 : memref<8x128xf32, #tpu.memory_space<vmem>>) dst(%dma_wait3A_482 : memref<8x128xf32, #tpu.memory_space<hbm>>)
    %dma_wait3A_487 = arith.constant 0 : i32
    %dma_wait3A_488 = arith.constant 7 : i32
    %dma_wait3A_489 = arith.constant 0 : i32
    %dma_wait3A_490 = arith.constant 0 : i32
    %dma_wait3A_491 = tpu.memref_slice %arg5[%dma_wait3A_487, %dma_wait3A_488, %dma_wait3A_489, %dma_wait3A_490] : memref<2x8x8x128xf32, #tpu.memory_space<vmem>> -> memref<1x1x8x128xf32, #tpu.memory_space<vmem>>
    %dma_wait3A_492 = tpu.memref_squeeze %dma_wait3A_491 : memref<1x1x8x128xf32, #tpu.memory_space<vmem>> -> memref<8x128xf32, #tpu.memory_space<vmem>>
    %dma_wait3A_493 = arith.constant 896 : i32
    %dma_wait3A_494 = tpu.memref_slice %arg3[%select_n3A, %add3A_198, %dma_wait3A_493] : memref<16x32x1024xf32, #tpu.memory_space<hbm>> -> memref<1x8x128xf32, #tpu.memory_space<hbm>>
    %dma_wait3A_495 = tpu.memref_squeeze %dma_wait3A_494 : memref<1x8x128xf32, #tpu.memory_space<hbm>> -> memref<8x128xf32, #tpu.memory_space<hbm>>
    %dma_wait3A_496 = arith.constant 896 : i32
    %dma_wait3A_497 = tpu.memref_slice %arg3[%select_n3A, %add3A_198, %dma_wait3A_496] : memref<16x32x1024xf32, #tpu.memory_space<hbm>> -> memref<1x8x128xf32, #tpu.memory_space<hbm>>
    %dma_wait3A_498 = tpu.memref_squeeze %dma_wait3A_497 : memref<1x8x128xf32, #tpu.memory_space<hbm>> -> memref<8x128xf32, #tpu.memory_space<hbm>>
    %dma_wait3A_499 = arith.constant 0 : i32
    %dma_wait3A_500 = arith.constant 0 : i32
    %dma_wait3A_501 = tpu.memref_slice %arg5[%dma_wait3A_487, %dma_wait3A_488, %dma_wait3A_499, %dma_wait3A_500] : memref<2x8x8x128xf32, #tpu.memory_space<vmem>> -> memref<1x1x8x128xf32, #tpu.memory_space<vmem>>
    %dma_wait3A_502 = tpu.memref_squeeze %dma_wait3A_501 : memref<1x1x8x128xf32, #tpu.memory_space<vmem>> -> memref<8x128xf32, #tpu.memory_space<vmem>>
    tpu.wait_dma2 semaphore(%arg6 : memref<!tpu.dma_semaphore, #tpu.memory_space<semaphore_mem>>) src(%dma_wait3A_502 : memref<8x128xf32, #tpu.memory_space<vmem>>) dst(%dma_wait3A_498 : memref<8x128xf32, #tpu.memory_space<hbm>>)
    %dma_wait3A_503 = arith.constant 1 : i32
    %dma_wait3A_504 = arith.constant 0 : i32
    %dma_wait3A_505 = arith.constant 0 : i32
    %dma_wait3A_506 = arith.constant 0 : i32
    %dma_wait3A_507 = tpu.memref_slice %arg5[%dma_wait3A_503, %dma_wait3A_504, %dma_wait3A_505, %dma_wait3A_506] : memref<2x8x8x128xf32, #tpu.memory_space<vmem>> -> memref<1x1x8x128xf32, #tpu.memory_space<vmem>>
    %dma_wait3A_508 = tpu.memref_squeeze %dma_wait3A_507 : memref<1x1x8x128xf32, #tpu.memory_space<vmem>> -> memref<8x128xf32, #tpu.memory_space<vmem>>
    %dma_wait3A_509 = arith.constant 0 : i32
    %dma_wait3A_510 = tpu.memref_slice %arg3[%select_n3A, %add3A_218, %dma_wait3A_509] : memref<16x32x1024xf32, #tpu.memory_space<hbm>> -> memref<1x8x128xf32, #tpu.memory_space<hbm>>
    %dma_wait3A_511 = tpu.memref_squeeze %dma_wait3A_510 : memref<1x8x128xf32, #tpu.memory_space<hbm>> -> memref<8x128xf32, #tpu.memory_space<hbm>>
    %dma_wait3A_512 = arith.constant 0 : i32
    %dma_wait3A_513 = tpu.memref_slice %arg3[%select_n3A, %add3A_218, %dma_wait3A_512] : memref<16x32x1024xf32, #tpu.memory_space<hbm>> -> memref<1x8x128xf32, #tpu.memory_space<hbm>>
    %dma_wait3A_514 = tpu.memref_squeeze %dma_wait3A_513 : memref<1x8x128xf32, #tpu.memory_space<hbm>> -> memref<8x128xf32, #tpu.memory_space<hbm>>
    %dma_wait3A_515 = arith.constant 0 : i32
    %dma_wait3A_516 = arith.constant 0 : i32
    %dma_wait3A_517 = tpu.memref_slice %arg5[%dma_wait3A_503, %dma_wait3A_504, %dma_wait3A_515, %dma_wait3A_516] : memref<2x8x8x128xf32, #tpu.memory_space<vmem>> -> memref<1x1x8x128xf32, #tpu.memory_space<vmem>>
    %dma_wait3A_518 = tpu.memref_squeeze %dma_wait3A_517 : memref<1x1x8x128xf32, #tpu.memory_space<vmem>> -> memref<8x128xf32, #tpu.memory_space<vmem>>
    tpu.wait_dma2 semaphore(%arg6 : memref<!tpu.dma_semaphore, #tpu.memory_space<semaphore_mem>>) src(%dma_wait3A_518 : memref<8x128xf32, #tpu.memory_space<vmem>>) dst(%dma_wait3A_514 : memref<8x128xf32, #tpu.memory_space<hbm>>)
    %dma_wait3A_519 = arith.constant 1 : i32
    %dma_wait3A_520 = arith.constant 1 : i32
    %dma_wait3A_521 = arith.constant 0 : i32
    %dma_wait3A_522 = arith.constant 0 : i32
    %dma_wait3A_523 = tpu.memref_slice %arg5[%dma_wait3A_519, %dma_wait3A_520, %dma_wait3A_521, %dma_wait3A_522] : memref<2x8x8x128xf32, #tpu.memory_space<vmem>> -> memref<1x1x8x128xf32, #tpu.memory_space<vmem>>
    %dma_wait3A_524 = tpu.memref_squeeze %dma_wait3A_523 : memref<1x1x8x128xf32, #tpu.memory_space<vmem>> -> memref<8x128xf32, #tpu.memory_space<vmem>>
    %dma_wait3A_525 = arith.constant 128 : i32
    %dma_wait3A_526 = tpu.memref_slice %arg3[%select_n3A, %add3A_238, %dma_wait3A_525] : memref<16x32x1024xf32, #tpu.memory_space<hbm>> -> memref<1x8x128xf32, #tpu.memory_space<hbm>>
    %dma_wait3A_527 = tpu.memref_squeeze %dma_wait3A_526 : memref<1x8x128xf32, #tpu.memory_space<hbm>> -> memref<8x128xf32, #tpu.memory_space<hbm>>
    %dma_wait3A_528 = arith.constant 128 : i32
    %dma_wait3A_529 = tpu.memref_slice %arg3[%select_n3A, %add3A_238, %dma_wait3A_528] : memref<16x32x1024xf32, #tpu.memory_space<hbm>> -> memref<1x8x128xf32, #tpu.memory_space<hbm>>
    %dma_wait3A_530 = tpu.memref_squeeze %dma_wait3A_529 : memref<1x8x128xf32, #tpu.memory_space<hbm>> -> memref<8x128xf32, #tpu.memory_space<hbm>>
    %dma_wait3A_531 = arith.constant 0 : i32
    %dma_wait3A_532 = arith.constant 0 : i32
    %dma_wait3A_533 = tpu.memref_slice %arg5[%dma_wait3A_519, %dma_wait3A_520, %dma_wait3A_531, %dma_wait3A_532] : memref<2x8x8x128xf32, #tpu.memory_space<vmem>> -> memref<1x1x8x128xf32, #tpu.memory_space<vmem>>
    %dma_wait3A_534 = tpu.memref_squeeze %dma_wait3A_533 : memref<1x1x8x128xf32, #tpu.memory_space<vmem>> -> memref<8x128xf32, #tpu.memory_space<vmem>>
    tpu.wait_dma2 semaphore(%arg6 : memref<!tpu.dma_semaphore, #tpu.memory_space<semaphore_mem>>) src(%dma_wait3A_534 : memref<8x128xf32, #tpu.memory_space<vmem>>) dst(%dma_wait3A_530 : memref<8x128xf32, #tpu.memory_space<hbm>>)
    %dma_wait3A_535 = arith.constant 1 : i32
    %dma_wait3A_536 = arith.constant 2 : i32
    %dma_wait3A_537 = arith.constant 0 : i32
    %dma_wait3A_538 = arith.constant 0 : i32
    %dma_wait3A_539 = tpu.memref_slice %arg5[%dma_wait3A_535, %dma_wait3A_536, %dma_wait3A_537, %dma_wait3A_538] : memref<2x8x8x128xf32, #tpu.memory_space<vmem>> -> memref<1x1x8x128xf32, #tpu.memory_space<vmem>>
    %dma_wait3A_540 = tpu.memref_squeeze %dma_wait3A_539 : memref<1x1x8x128xf32, #tpu.memory_space<vmem>> -> memref<8x128xf32, #tpu.memory_space<vmem>>
    %dma_wait3A_541 = arith.constant 256 : i32
    %dma_wait3A_542 = tpu.memref_slice %arg3[%select_n3A, %add3A_258, %dma_wait3A_541] : memref<16x32x1024xf32, #tpu.memory_space<hbm>> -> memref<1x8x128xf32, #tpu.memory_space<hbm>>
    %dma_wait3A_543 = tpu.memref_squeeze %dma_wait3A_542 : memref<1x8x128xf32, #tpu.memory_space<hbm>> -> memref<8x128xf32, #tpu.memory_space<hbm>>
    %dma_wait3A_544 = arith.constant 256 : i32
    %dma_wait3A_545 = tpu.memref_slice %arg3[%select_n3A, %add3A_258, %dma_wait3A_544] : memref<16x32x1024xf32, #tpu.memory_space<hbm>> -> memref<1x8x128xf32, #tpu.memory_space<hbm>>
    %dma_wait3A_546 = tpu.memref_squeeze %dma_wait3A_545 : memref<1x8x128xf32, #tpu.memory_space<hbm>> -> memref<8x128xf32, #tpu.memory_space<hbm>>
    %dma_wait3A_547 = arith.constant 0 : i32
    %dma_wait3A_548 = arith.constant 0 : i32
    %dma_wait3A_549 = tpu.memref_slice %arg5[%dma_wait3A_535, %dma_wait3A_536, %dma_wait3A_547, %dma_wait3A_548] : memref<2x8x8x128xf32, #tpu.memory_space<vmem>> -> memref<1x1x8x128xf32, #tpu.memory_space<vmem>>
    %dma_wait3A_550 = tpu.memref_squeeze %dma_wait3A_549 : memref<1x1x8x128xf32, #tpu.memory_space<vmem>> -> memref<8x128xf32, #tpu.memory_space<vmem>>
    tpu.wait_dma2 semaphore(%arg6 : memref<!tpu.dma_semaphore, #tpu.memory_space<semaphore_mem>>) src(%dma_wait3A_550 : memref<8x128xf32, #tpu.memory_space<vmem>>) dst(%dma_wait3A_546 : memref<8x128xf32, #tpu.memory_space<hbm>>)
    %dma_wait3A_551 = arith.constant 1 : i32
    %dma_wait3A_552 = arith.constant 3 : i32
    %dma_wait3A_553 = arith.constant 0 : i32
    %dma_wait3A_554 = arith.constant 0 : i32
    %dma_wait3A_555 = tpu.memref_slice %arg5[%dma_wait3A_551, %dma_wait3A_552, %dma_wait3A_553, %dma_wait3A_554] : memref<2x8x8x128xf32, #tpu.memory_space<vmem>> -> memref<1x1x8x128xf32, #tpu.memory_space<vmem>>
    %dma_wait3A_556 = tpu.memref_squeeze %dma_wait3A_555 : memref<1x1x8x128xf32, #tpu.memory_space<vmem>> -> memref<8x128xf32, #tpu.memory_space<vmem>>
    %dma_wait3A_557 = arith.constant 384 : i32
    %dma_wait3A_558 = tpu.memref_slice %arg3[%select_n3A, %add3A_278, %dma_wait3A_557] : memref<16x32x1024xf32, #tpu.memory_space<hbm>> -> memref<1x8x128xf32, #tpu.memory_space<hbm>>
    %dma_wait3A_559 = tpu.memref_squeeze %dma_wait3A_558 : memref<1x8x128xf32, #tpu.memory_space<hbm>> -> memref<8x128xf32, #tpu.memory_space<hbm>>
    %dma_wait3A_560 = arith.constant 384 : i32
    %dma_wait3A_561 = tpu.memref_slice %arg3[%select_n3A, %add3A_278, %dma_wait3A_560] : memref<16x32x1024xf32, #tpu.memory_space<hbm>> -> memref<1x8x128xf32, #tpu.memory_space<hbm>>
    %dma_wait3A_562 = tpu.memref_squeeze %dma_wait3A_561 : memref<1x8x128xf32, #tpu.memory_space<hbm>> -> memref<8x128xf32, #tpu.memory_space<hbm>>
    %dma_wait3A_563 = arith.constant 0 : i32
    %dma_wait3A_564 = arith.constant 0 : i32
    %dma_wait3A_565 = tpu.memref_slice %arg5[%dma_wait3A_551, %dma_wait3A_552, %dma_wait3A_563, %dma_wait3A_564] : memref<2x8x8x128xf32, #tpu.memory_space<vmem>> -> memref<1x1x8x128xf32, #tpu.memory_space<vmem>>
    %dma_wait3A_566 = tpu.memref_squeeze %dma_wait3A_565 : memref<1x1x8x128xf32, #tpu.memory_space<vmem>> -> memref<8x128xf32, #tpu.memory_space<vmem>>
    tpu.wait_dma2 semaphore(%arg6 : memref<!tpu.dma_semaphore, #tpu.memory_space<semaphore_mem>>) src(%dma_wait3A_566 : memref<8x128xf32, #tpu.memory_space<vmem>>) dst(%dma_wait3A_562 : memref<8x128xf32, #tpu.memory_space<hbm>>)
    %dma_wait3A_567 = arith.constant 1 : i32
    %dma_wait3A_568 = arith.constant 4 : i32
    %dma_wait3A_569 = arith.constant 0 : i32
    %dma_wait3A_570 = arith.constant 0 : i32
    %dma_wait3A_571 = tpu.memref_slice %arg5[%dma_wait3A_567, %dma_wait3A_568, %dma_wait3A_569, %dma_wait3A_570] : memref<2x8x8x128xf32, #tpu.memory_space<vmem>> -> memref<1x1x8x128xf32, #tpu.memory_space<vmem>>
    %dma_wait3A_572 = tpu.memref_squeeze %dma_wait3A_571 : memref<1x1x8x128xf32, #tpu.memory_space<vmem>> -> memref<8x128xf32, #tpu.memory_space<vmem>>
    %dma_wait3A_573 = arith.constant 512 : i32
    %dma_wait3A_574 = tpu.memref_slice %arg3[%select_n3A, %add3A_298, %dma_wait3A_573] : memref<16x32x1024xf32, #tpu.memory_space<hbm>> -> memref<1x8x128xf32, #tpu.memory_space<hbm>>
    %dma_wait3A_575 = tpu.memref_squeeze %dma_wait3A_574 : memref<1x8x128xf32, #tpu.memory_space<hbm>> -> memref<8x128xf32, #tpu.memory_space<hbm>>
    %dma_wait3A_576 = arith.constant 512 : i32
    %dma_wait3A_577 = tpu.memref_slice %arg3[%select_n3A, %add3A_298, %dma_wait3A_576] : memref<16x32x1024xf32, #tpu.memory_space<hbm>> -> memref<1x8x128xf32, #tpu.memory_space<hbm>>
    %dma_wait3A_578 = tpu.memref_squeeze %dma_wait3A_577 : memref<1x8x128xf32, #tpu.memory_space<hbm>> -> memref<8x128xf32, #tpu.memory_space<hbm>>
    %dma_wait3A_579 = arith.constant 0 : i32
    %dma_wait3A_580 = arith.constant 0 : i32
    %dma_wait3A_581 = tpu.memref_slice %arg5[%dma_wait3A_567, %dma_wait3A_568, %dma_wait3A_579, %dma_wait3A_580] : memref<2x8x8x128xf32, #tpu.memory_space<vmem>> -> memref<1x1x8x128xf32, #tpu.memory_space<vmem>>
    %dma_wait3A_582 = tpu.memref_squeeze %dma_wait3A_581 : memref<1x1x8x128xf32, #tpu.memory_space<vmem>> -> memref<8x128xf32, #tpu.memory_space<vmem>>
    tpu.wait_dma2 semaphore(%arg6 : memref<!tpu.dma_semaphore, #tpu.memory_space<semaphore_mem>>) src(%dma_wait3A_582 : memref<8x128xf32, #tpu.memory_space<vmem>>) dst(%dma_wait3A_578 : memref<8x128xf32, #tpu.memory_space<hbm>>)
    %dma_wait3A_583 = arith.constant 1 : i32
    %dma_wait3A_584 = arith.constant 5 : i32
    %dma_wait3A_585 = arith.constant 0 : i32
    %dma_wait3A_586 = arith.constant 0 : i32
    %dma_wait3A_587 = tpu.memref_slice %arg5[%dma_wait3A_583, %dma_wait3A_584, %dma_wait3A_585, %dma_wait3A_586] : memref<2x8x8x128xf32, #tpu.memory_space<vmem>> -> memref<1x1x8x128xf32, #tpu.memory_space<vmem>>
    %dma_wait3A_588 = tpu.memref_squeeze %dma_wait3A_587 : memref<1x1x8x128xf32, #tpu.memory_space<vmem>> -> memref<8x128xf32, #tpu.memory_space<vmem>>
    %dma_wait3A_589 = arith.constant 640 : i32
    %dma_wait3A_590 = tpu.memref_slice %arg3[%select_n3A, %add3A_318, %dma_wait3A_589] : memref<16x32x1024xf32, #tpu.memory_space<hbm>> -> memref<1x8x128xf32, #tpu.memory_space<hbm>>
    %dma_wait3A_591 = tpu.memref_squeeze %dma_wait3A_590 : memref<1x8x128xf32, #tpu.memory_space<hbm>> -> memref<8x128xf32, #tpu.memory_space<hbm>>
    %dma_wait3A_592 = arith.constant 640 : i32
    %dma_wait3A_593 = tpu.memref_slice %arg3[%select_n3A, %add3A_318, %dma_wait3A_592] : memref<16x32x1024xf32, #tpu.memory_space<hbm>> -> memref<1x8x128xf32, #tpu.memory_space<hbm>>
    %dma_wait3A_594 = tpu.memref_squeeze %dma_wait3A_593 : memref<1x8x128xf32, #tpu.memory_space<hbm>> -> memref<8x128xf32, #tpu.memory_space<hbm>>
    %dma_wait3A_595 = arith.constant 0 : i32
    %dma_wait3A_596 = arith.constant 0 : i32
    %dma_wait3A_597 = tpu.memref_slice %arg5[%dma_wait3A_583, %dma_wait3A_584, %dma_wait3A_595, %dma_wait3A_596] : memref<2x8x8x128xf32, #tpu.memory_space<vmem>> -> memref<1x1x8x128xf32, #tpu.memory_space<vmem>>
    %dma_wait3A_598 = tpu.memref_squeeze %dma_wait3A_597 : memref<1x1x8x128xf32, #tpu.memory_space<vmem>> -> memref<8x128xf32, #tpu.memory_space<vmem>>
    tpu.wait_dma2 semaphore(%arg6 : memref<!tpu.dma_semaphore, #tpu.memory_space<semaphore_mem>>) src(%dma_wait3A_598 : memref<8x128xf32, #tpu.memory_space<vmem>>) dst(%dma_wait3A_594 : memref<8x128xf32, #tpu.memory_space<hbm>>)
    %dma_wait3A_599 = arith.constant 1 : i32
    %dma_wait3A_600 = arith.constant 6 : i32
    %dma_wait3A_601 = arith.constant 0 : i32
    %dma_wait3A_602 = arith.constant 0 : i32
    %dma_wait3A_603 = tpu.memref_slice %arg5[%dma_wait3A_599, %dma_wait3A_600, %dma_wait3A_601, %dma_wait3A_602] : memref<2x8x8x128xf32, #tpu.memory_space<vmem>> -> memref<1x1x8x128xf32, #tpu.memory_space<vmem>>
    %dma_wait3A_604 = tpu.memref_squeeze %dma_wait3A_603 : memref<1x1x8x128xf32, #tpu.memory_space<vmem>> -> memref<8x128xf32, #tpu.memory_space<vmem>>
    %dma_wait3A_605 = arith.constant 768 : i32
    %dma_wait3A_606 = tpu.memref_slice %arg3[%select_n3A, %add3A_338, %dma_wait3A_605] : memref<16x32x1024xf32, #tpu.memory_space<hbm>> -> memref<1x8x128xf32, #tpu.memory_space<hbm>>
    %dma_wait3A_607 = tpu.memref_squeeze %dma_wait3A_606 : memref<1x8x128xf32, #tpu.memory_space<hbm>> -> memref<8x128xf32, #tpu.memory_space<hbm>>
    %dma_wait3A_608 = arith.constant 768 : i32
    %dma_wait3A_609 = tpu.memref_slice %arg3[%select_n3A, %add3A_338, %dma_wait3A_608] : memref<16x32x1024xf32, #tpu.memory_space<hbm>> -> memref<1x8x128xf32, #tpu.memory_space<hbm>>
    %dma_wait3A_610 = tpu.memref_squeeze %dma_wait3A_609 : memref<1x8x128xf32, #tpu.memory_space<hbm>> -> memref<8x128xf32, #tpu.memory_space<hbm>>
    %dma_wait3A_611 = arith.constant 0 : i32
    %dma_wait3A_612 = arith.constant 0 : i32
    %dma_wait3A_613 = tpu.memref_slice %arg5[%dma_wait3A_599, %dma_wait3A_600, %dma_wait3A_611, %dma_wait3A_612] : memref<2x8x8x128xf32, #tpu.memory_space<vmem>> -> memref<1x1x8x128xf32, #tpu.memory_space<vmem>>
    %dma_wait3A_614 = tpu.memref_squeeze %dma_wait3A_613 : memref<1x1x8x128xf32, #tpu.memory_space<vmem>> -> memref<8x128xf32, #tpu.memory_space<vmem>>
    tpu.wait_dma2 semaphore(%arg6 : memref<!tpu.dma_semaphore, #tpu.memory_space<semaphore_mem>>) src(%dma_wait3A_614 : memref<8x128xf32, #tpu.memory_space<vmem>>) dst(%dma_wait3A_610 : memref<8x128xf32, #tpu.memory_space<hbm>>)
    %dma_wait3A_615 = arith.constant 1 : i32
    %dma_wait3A_616 = arith.constant 7 : i32
    %dma_wait3A_617 = arith.constant 0 : i32
    %dma_wait3A_618 = arith.constant 0 : i32
    %dma_wait3A_619 = tpu.memref_slice %arg5[%dma_wait3A_615, %dma_wait3A_616, %dma_wait3A_617, %dma_wait3A_618] : memref<2x8x8x128xf32, #tpu.memory_space<vmem>> -> memref<1x1x8x128xf32, #tpu.memory_space<vmem>>
    %dma_wait3A_620 = tpu.memref_squeeze %dma_wait3A_619 : memref<1x1x8x128xf32, #tpu.memory_space<vmem>> -> memref<8x128xf32, #tpu.memory_space<vmem>>
    %dma_wait3A_621 = arith.constant 896 : i32
    %dma_wait3A_622 = tpu.memref_slice %arg3[%select_n3A, %add3A_358, %dma_wait3A_621] : memref<16x32x1024xf32, #tpu.memory_space<hbm>> -> memref<1x8x128xf32, #tpu.memory_space<hbm>>
    %dma_wait3A_623 = tpu.memref_squeeze %dma_wait3A_622 : memref<1x8x128xf32, #tpu.memory_space<hbm>> -> memref<8x128xf32, #tpu.memory_space<hbm>>
    %dma_wait3A_624 = arith.constant 896 : i32
    %dma_wait3A_625 = tpu.memref_slice %arg3[%select_n3A, %add3A_358, %dma_wait3A_624] : memref<16x32x1024xf32, #tpu.memory_space<hbm>> -> memref<1x8x128xf32, #tpu.memory_space<hbm>>
    %dma_wait3A_626 = tpu.memref_squeeze %dma_wait3A_625 : memref<1x8x128xf32, #tpu.memory_space<hbm>> -> memref<8x128xf32, #tpu.memory_space<hbm>>
    %dma_wait3A_627 = arith.constant 0 : i32
    %dma_wait3A_628 = arith.constant 0 : i32
    %dma_wait3A_629 = tpu.memref_slice %arg5[%dma_wait3A_615, %dma_wait3A_616, %dma_wait3A_627, %dma_wait3A_628] : memref<2x8x8x128xf32, #tpu.memory_space<vmem>> -> memref<1x1x8x128xf32, #tpu.memory_space<vmem>>
    %dma_wait3A_630 = tpu.memref_squeeze %dma_wait3A_629 : memref<1x1x8x128xf32, #tpu.memory_space<vmem>> -> memref<8x128xf32, #tpu.memory_space<vmem>>
    tpu.wait_dma2 semaphore(%arg6 : memref<!tpu.dma_semaphore, #tpu.memory_space<semaphore_mem>>) src(%dma_wait3A_630 : memref<8x128xf32, #tpu.memory_space<vmem>>) dst(%dma_wait3A_626 : memref<8x128xf32, #tpu.memory_space<hbm>>)
    return
  }
}

</mosaic_0001>

<sc_bundles>
// kernel: kernel.3.cloned.1.call-start
scs
__scs_entry_jumppad:
0x0: {  	(pc) =	sbr.rel $0x88, $3  }
0x1: {  	(tag) =	ssettag $0x0;
	lr =	simm.s32 $0x1  }
0x2: {  	[smem:$0x3FA0] =	sst lr;
	_ =	strace $0xD0000000  }
0x3: {  	_ = 	snop  }
0x4: {  	_ = 	snop  }
0x5: {  	_ = 	snop  }
0x6: {  	_ = 	snop  }
0x7: {  	_ = 	snop  }
__scs_overlays_trampoline_lowered:
0x8: {  	[smem:$0x3FAF] =	sst s0  }
0x9: {  	[smem:$0x3FB0] =	sst s1  }
0xa: {  	[smem:$0x3FB1] =	sst s2  }
0xb: {  	[smem:$0x3FB2] =	sst s3  }
0xc: {  	[smem:$0x3FB3] =	sst s4  }
0xd: {  	[smem:$0x3FB4] =	sst s5  }
0xe: {  	[smem:$0x3FB5] =	sst s6  }
0xf: {  	[smem:$0x3FB6] =	sst s7  }
0x10: {  	[smem:$0x3FB7] =	sst s8  }
0x11: {  	[smem:$0x3FB8] =	sst s9;
	s0 =	simm.s32 @!p0 $0x0  }
0x12: {  	s1 =	sld [smem:$0x3F9E];
	s0 =	simm.s32 @p0 $0x1  }
0x13: {  	[smem:$0x3FB9] =	sst s0;
	s0 =	simm.s32 @!p1 $0x0  }
0x14: {  	s2 =	sld [smem:$0x3F9D];
	s0 =	simm.s32 @p1 $0x1  }
0x15: {  	[smem:$0x3FBA] =	sst s0;
	s0 =	simm.s32 @!p2 $0x0  }
0x16: {  	s3 =	sld [smem:$0x3FDB];
	s0 =	simm.s32 @p2 $0x1  }
0x17: {  	s4 =	simm.s32 $0x1BF5;
	[smem:$0x3FBC] =	sst s0  }
0x18: {  	s0 =	sld [smem:$0x3F9F];
	_ =	swait.ge [sflag:s4], $0x0  }
0x19: {  	s7 =	sld [smem:$0x3FA0]  }
0x1a: {  	s8 =	sadd.s32 $0xFFFFE003, lr  }
0x1b: {  	s9 =	sadd.s32 $0xFFFFFEF7, lr;
	s5 =	simm.s32 $0xFFFFFFFF;
	p2 =	slt.u32 s8, $0xFFFFF086  }
0x1c: {  	p1 =	slt.u32 s9, $0xF7A;
	s5 =	simm.s32 @!p2 $0x0  }
0x1d: {  	s5 =	simm.s32 @p1 $0x1;
	p0 =	seq.s32 s7, s2  }
0x1e: {  	s7 =	smul.u32 @!p0 $0xF7A, s2;
	p2 =	seq.s32 @!p0 s5, $0x0  }
0x1f: {  	s9 =	smul.u32 $0xF7A, s1;
	s8 =	simm.s32 @!p0 $0x1BF5;
	p2 =	por !p2, p0  }
0x20: {  	[sflag:s8] =	ssyncset.s32 @!p0 $0xFFFFF086;
	s6 =	sadd.s32 @!p0 s3, s7;
	s7 =	simm.s32 @!p0 $0x108  }
0x21: {  	s3 =	sadd.s32 s3, s9;
	s6 =	sadd.s32 @!p0 $0x88, s6;
	s7 =	simm.s32 @p2 $0x1082  }
0x22: {  	[simem:s7], [sflag:s8] =	dma.local @!p0 [hbm:s6], $0xF7A  }
0x23: {  	s9 =	sor.u32 $0xD0000000, s2;
	s6 =	simm.s32 $0x108;
	_ =	swait.ge @!p0 [sflag:s8], $0x0  }
0x24: {  	s3 =	sadd.s32 $0x88, s3;
	s6 =	simm.s32 @!p1 $0x1082;
	[sflag:s4] =	ssyncset.s32 $0xFFFFF086  }
0x25: {  	[simem:s6], [sflag:s4] =	dma.local [hbm:s3], $0xF7A  }
0x26: {  	[smem:$0x3FA0] =	sst s1;
	(tag) =	ssettag s2;
	_ =	strace s9  }
0x27: {  	s1 =	sld [smem:$0x3FB0]  }
0x28: {  	s2 =	sld [smem:$0x3FB1]  }
0x29: {  	s4 =	sld [smem:$0x3FB3]  }
0x2a: {  	p0 =	seq.s32 s5, $0x0;
	s5 =	sld [smem:$0x3FB4]  }
0x2b: {  	s6 =	sld [smem:$0x3FB5]  }
0x2c: {  	s7 =	sld [smem:$0x3FB6]  }
0x2d: {  	s3 =	simm.s32 $0x108;
	s8 =	sld [smem:$0x3FB7]  }
0x2e: {  	s3 =	simm.s32 @!p0 $0x1082;
	s9 =	sld [smem:$0x3FB8]  }
0x2f: {  	lr =	sadd.s32 s0, s3;
	s0 =	sld [smem:$0x3FAF]  }
0x30: {  	s3 =	sld [smem:$0x3FB2]  }
0x31: {  	[smem:$0x3FBB] =	sst s10  }
0x32: {  	s10 =	sld [smem:$0x3FB9];
	_ =	sdelay $0x3  }
0x33: {  	p0 =	seq.s32 s10, $0x1;
	s10 =	sld [smem:$0x3FBB];
	_ =	sdelay $0x3  }
0x34: {  	[smem:$0x3FBB] =	sst s10  }
0x35: {  	s10 =	sld [smem:$0x3FBA];
	_ =	sdelay $0x3  }
0x36: {  	p1 =	seq.s32 s10, $0x1;
	s10 =	sld [smem:$0x3FBB];
	_ =	sdelay $0x3  }
0x37: {  	[smem:$0x3FBB] =	sst s10  }
0x38: {  	s10 =	sld [smem:$0x3FBC]  }
0x39: {  	_ = 	snop;
	(pc) =	sbr.ind lr, $3  }
0x3a: {  	_ = 	snop  }
0x3b: {  	_ = 	snop  }
0x3c: {  	p2 =	seq.s32 s10, $0x1;
	s10 =	sld [smem:$0x3FBB]  }
0x3d: {  	_ =	shalt  }
0x3e: {  	_ =	shalt  }
0x3f: {  	_ =	shalt  }
0x40: {  	_ =	shalt  }
0x41: {  	_ =	shalt  }
0x42: {  	_ =	shalt  }
0x43: {  	_ =	shalt  }
0x44: {  	_ =	shalt  }
0x45: {  	_ =	shalt  }
0x46: {  	_ =	shalt  }
0x47: {  	_ =	shalt  }
0x48: {  	_ =	shalt  }
0x49: {  	_ =	shalt  }
0x4a: {  	_ =	shalt  }
0x4b: {  	_ =	shalt  }
0x4c: {  	_ =	shalt  }
0x4d: {  	_ =	shalt  }
0x4e: {  	_ =	shalt  }
0x4f: {  	_ =	shalt  }
0x50: {  	_ =	shalt  }
0x51: {  	_ =	shalt  }
0x52: {  	_ =	shalt  }
0x53: {  	_ =	shalt  }
0x54: {  	_ =	shalt  }
0x55: {  	_ =	shalt  }
0x56: {  	_ =	shalt  }
0x57: {  	_ =	shalt  }
0x58: {  	_ =	shalt  }
0x59: {  	_ =	shalt  }
0x5a: {  	_ =	shalt  }
0x5b: {  	_ =	shalt  }
0x5c: {  	_ =	shalt  }
0x5d: {  	_ =	shalt  }
0x5e: {  	_ =	shalt  }
0x5f: {  	_ =	shalt  }
0x60: {  	_ =	shalt  }
0x61: {  	_ =	shalt  }
0x62: {  	_ =	shalt  }
0x63: {  	_ =	shalt  }
0x64: {  	_ =	shalt  }
0x65: {  	_ =	shalt  }
0x66: {  	_ =	shalt  }
0x67: {  	_ =	shalt  }
0x68: {  	_ =	shalt  }
0x69: {  	_ =	shalt  }
0x6a: {  	_ =	shalt  }
0x6b: {  	_ =	shalt  }
0x6c: {  	_ =	shalt  }
0x6d: {  	_ =	shalt  }
0x6e: {  	_ =	shalt  }
0x6f: {  	_ =	shalt  }
0x70: {  	_ =	shalt  }
0x71: {  	_ =	shalt  }
0x72: {  	_ =	shalt  }
0x73: {  	_ =	shalt  }
0x74: {  	_ =	shalt  }
0x75: {  	_ =	shalt  }
0x76: {  	_ =	shalt  }
0x77: {  	_ =	shalt  }
0x78: {  	_ =	shalt  }
0x79: {  	_ =	shalt  }
0x7a: {  	_ =	shalt  }
0x7b: {  	_ =	shalt  }
0x7c: {  	_ =	shalt  }
0x7d: {  	_ =	shalt  }
0x7e: {  	_ =	shalt  }
0x7f: {  	_ =	shalt  }
0x80: {  	_ =	shalt  }
0x81: {  	_ =	shalt  }
0x82: {  	_ =	shalt  }
0x83: {  	_ =	shalt  }
0x84: {  	_ =	shalt  }
0x85: {  	_ =	shalt  }
0x86: {  	_ =	shalt  }
0x87: {  	_ =	shalt  }
.Lfunc_end0:
.L_simem_size_0:
called_computation_lowered:
.L_overlay_start_0:
0x88: {  	s2 =	sld [smem:$0x3FD9]  }
0x89: {  	s3 =	sld [smem:$0x3FFE];
	_ =	sdelay $0x1  }
0x8a: {  	s1 =	srdreg.scid  }
0x8b: {  	s0 =	sand.u32 $0x1, s1  }
0x8c: {  	s14 =	sshll.u32 s0, $0xA;
	s2 =	sadd.s32 s3, s2  }
0x8d: {  	s2 =	sadd.s32 s2, s14  }
0x8e: {  	[smem:$0x3FC7] =	sst s2  }
0x8f: {  	_ = 	snop  }
0x90: {  	s2 =	sld [smem:$0x3FD0];
	_ =	sdelay $0x2  }
0x91: {  	s15 =	simm.s32 $0xA;
	s4 =	simm.s32 $0x10  }
0x92: {  	[smem:s4], [sflag:s15] =	dma.local [hbm:s2], $0x1  }
0x93: {  	_ =	swait.eq [sflag:s15], $0x1  }
0x94: {  	[sflag:s15] =	ssyncset.done $0x0  }
0x95: {  	[sflag:s15] =	ssyncadd.s32 $0xFFFFFFFF  }
0x96: {  	s16 =	sld [smem:$0x12];
	(tm) =	ssettm $0x1  }
0x97: {  	s17 =	sld [smem:$0x3FFB];
	_ =	sdelay $0x3  }
0x98: {  	_ =	strace s17  }
0x99: {  	s3 =	sld [smem:$0x3FFC];
	_ =	sdelay $0x3  }
0x9a: {  	_ =	strace s3  }
0x9b: {  	s3 =	sld [smem:$0x3FFD];
	_ =	sdelay $0x3  }
0x9c: {  	_ =	strace s3  }
0x9d: {  	_ =	strace $0x8FFFFFFF  }
0x9e: {  	s18 =	sld [smem:$0x3FDB];
	_ =	sdelay $0x1  }
0x9f: {  	s19 =	simm.s32 $_scs_section_size  }
0xa0: {  	s5 =	simm.s32 $_size__tile_overlayer_lowered;
	s6 =	simm.s32 $_tile_overlayer_lowered  }
0xa1: {  	s22 =	simm.s32 $0x1BFF;
	s21 =	sshll.u32 s6, $0x1;
	s3 =	sadd.s32 s19, s18  }
0xa2: {  	s7 =	simm.s32 $0x0;
	s20 =	sshll.u32 s5, $0x1;
	s5 =	sadd.s32 s21, s3  }
0xa3: {  	[timem:s7], [sflag:s22] =	dma.local [hbm:s5], s20  }
0xa4: {  	_ =	swait.ge [sflag:s22], s20  }
0xa5: {  	s4 =	ssub.s32 $0x0, s20;
	[sflag:s22] =	ssyncset.done $0x0  }
0xa6: {  	[sflag:s22] =	ssyncadd.s32 s4;
	_ =	sdelay $0x1  }
0xa7: {  	s23 =	simm.s32 $0x1B8B  }
0xa8: {  	_ =	swait.ge [sflag:s23], $0x1  }
0xa9: {  	[sflag:s23] =	ssyncset.done $0x0  }
0xaa: {  	s25 =	simm.s32 $0x1B8E;
	s24 =	sld [smem:$0x3FFE];
	[sflag:s23] =	ssyncadd.s32 $0xFFFFFFFF  }
0xab: {  	s26 =	simm.s32 $execute0_lowered;
	[smem:$0x3FD2] =	sst s25  }
0xac: {  	s5 =	sshll.u32 s26, $0x1;
	_ =	strace $0x80000046;
	[dreg:$0x1] =	wrdreg $0xFFFFFFFF  }
0xad: {  	s28 =	simm.s32 $_size_execute0_lowered;
	s3 =	sadd.s32 s3, s5;
	[dreg:$0x0] =	wrdreg $0x0  }
0xae: {  	s5 =	sshll.u32 s28, $0x1;
	[dreg:$0x2] =	wrdreg s3  }
0xaf: {  	[dreg:$0x3] =	wrdreg s5  }
0xb0: {  	[dreg:$0x4] =	wrdreg $0xC0  }
0xb1: {  	_ =	task [dreg:s7], $0x5FFFF  }
0xb2: {  	[dreg:$0x1] =	wrdreg $0xFFFFFFFF  }
0xb3: {  	[dreg:$0x0] =	wrdreg $0x60  }
0xb4: {  	[dreg:$0x2] =	wrdreg s24  }
0xb5: {  	[dreg:$0x3] =	wrdreg s16  }
0xb6: {  	[dreg:$0x4] =	wrdreg $0x9  }
0xb7: {  	_ =	task.clear_ibuf [dreg:s7], $0x5FFFF;
	_ =	strace $0x90000046  }
0xb8: {  	s29 =	simm.s32 $0x9;
	_ =	strace $0x80000048  }
0xb9: {  	_ =	swait.ge [sflag:s29], $0x1  }
0xba: {  	[sflag:s29] =	ssyncadd.s32 $0xFFFFFFFF  }
0xbb: {  	_ =	strace $0x90000048  }
0xbc: {  	_ =	sfence  }
0xbd: {  	s30 =	sld [smem:$0x0];
	_ =	sdelay $0x2  }
0xbe: {  	s31 =	sshll.u32 s1, $0xD;
	s1 =	sshrl.u32 s1, $0x2  }
0xbf: {  	s3 =	sand.u32 $0x4000, s31;
	s1 =	sadd.s32 s1, s30  }
0xc0: {  	s0 =	sor.u32 s3, s0;
	s1 =	sshll.u32 s1, $0x11  }
0xc1: {  	s0 =	sor.u32 s1, s0  }
0xc2: {  	s0 =	sadd.s32 $0x8F2B, s0  }
0xc3: {  	[sflag:s0] =	ssyncadd.remote.s32 $0x1  }
0xc4: {  	_ =	sfence.sel $0xFFFF  }
0xc5: {  	[dreg:$0x0] =	wrdreg $0xFFFFFFFF;
	(pc) =	sbr.abs _section_cstart, $3  }
0xc6: {  	[dreg:$0x1] =	wrdreg $0xFFFFFFFF  }
0xc7: {  	_ =	task.clear_ibuf [dreg:s7], $0x2FFFF;
	_ =	strace $0x9FFFFFFF  }
0xc8: {  	(tm) =	ssettm $0x7FFFFFFF  }
0xc9: {  	_ =	shalt  }
tec
execute0_lowered:
.L_overlay_start_1:
0x0: {  	(tag) =	ssettag $0x1  }
0x1: {  	s0 =	srdreg.scid;
	s3 =	rddreg [dreg:$0x0]  }
0x2: {  	s6 =	stileid.u32;
	s13 =	rddreg [dreg:$0x1];
	s2 =	simm.s32 $0x0  }
0x3: {  	s4 =	simm.s32 $0x1;
	s23 =	simm.s32 $0x3000;
	s24 =	simm.s32 $0x3400  }
0x4: {  	s25 =	simm.s32 $0x3800;
	s26 =	simm.s32 $0x3C00;
	s28 =	simm.s32 $0x4000  }
0x5: {  	s29 =	simm.s32 $0x0;
	s0 =	sand.u32 $0x1, s0;
	s1 =	sshll.u32 s6, $0x1  }
0x6: {  	v0 =	vimm.s32 $0x2380;
	vm0 =	vcmask $0x300;
	[smem:$0x7FF] =	sst s2;
	s31 =	sadd.s32 $0x80, s13;
	s1 =	sor.u32 s0, s1  }
0x7: {  	vm14 =	vcmask $0x704;
	v0 =	vsel vm0, $0x0, v0;
	s15 =	sadd.s32 $0x100, s13;
	p1 =	seq.s32 s0, $0x1;
	p0 =	seq.s32 s1, $0x0  }
0x8: {  	vm15 =	vcmask $0xB08;
	s16 =	sadd.s32 $0x180, s13;
	s17 =	sadd.s32 $0x200, s13;
	v0 =	vsel vm14, $0x80, v0;
	p0 =	por !p0, !p1  }
0x9: {  	vm4 =	vcmask $0xF0C;
	s18 =	sadd.s32 $0x280, s13;
	s19 =	sadd.s32 $0x300, s13;
	v0 =	vsel vm15, $0x100, v0;
	p0 =	por !p0, !p0  }
0xa: {  	vm5 =	vcmask $0x1310;
	s20 =	sadd.s32 $0x380, s13;
	_ =	strace $0x80000047;
	v0 =	vsel vm4, $0x180, v0;
	s4 =	simm.s32 @!p0 $0x0  }
0xb: {  	vm6 =	vcmask $0x1714;
	s5 =	ssub.s32 $0x2, s0;
	s0 =	sshll.u32 s0, $0xE;
	v0 =	vsel vm5, $0x200, v0;
	s4 =	ssub.s32 s6, s4  }
0xc: {  	vm7 =	vcmask $0x1B18;
	s1 =	sshll.u32 s1, $0x7;
	s30 =	sshrl.u32 s5, $0x1;
	v0 =	vsel vm6, $0x280, v0;
	s4 =	sshll.u32 s4, $0xF  }
0xd: {  	vm8 =	vcmask $0x1F1C;
	s1 =	sadd.s32 s1, s3;
	s21 =	ssub.s32 s5, s30;
	v0 =	vsel vm7, $0x300, v0;
	s0 =	sor.u32 s0, s4  }
0xe: {  	vm9 =	vcmask $0x2320;
	s3 =	simm.s32 $0x1;
	s21 =	smax.u32 s21, $0x1;
	v0 =	vsel vm8, $0x380, v0;
	s0 =	sshrl.u32 s0, $0x3  }
0xf: {  	vm10 =	vcmask $0x2724;
	s4 =	sadd.s32 $0x800, s1;
	v0 =	vsel vm9, $0x2000, v0;
	s1 =	simm.s32 $0x2800;
	s5 =	sadd.s32 s13, s0  }
0x10: {  	vm11 =	vcmask $0x2B28;
	v0 =	vsel vm10, $0x2080, v0;
	s6 =	sadd.s32 s0, s31;
	s7 =	sadd.s32 s0, s15;
	s8 =	sadd.s32 s0, s16  }
0x11: {  	vm12 =	vcmask $0x2F2C;
	s9 =	sadd.s32 s0, s17;
	s10 =	sadd.s32 s0, s18;
	s11 =	sadd.s32 s0, s19;
	v0 =	vsel vm11, $0x2100, v0  }
0x12: {  	vm13 =	vcmask $0x3330;
	s22 =	sor.u32 $0x400, s0;
	s12 =	sadd.s32 s0, s20;
	s0 =	simm.s32 $0x2C00;
	v1 =	vsel vm12, $0x2180, v0  }
0x13: {  	v2 =	vlaneseq.u32;
	vm14 =	vcmask $0x3734;
	s13 =	sadd.s32 s13, s22;
	s14 =	sadd.s32 s22, s31;
	s15 =	sadd.s32 s22, s15;
	v1 =	vsel vm13, $0x2200, v1  }
0x14: {  	vm15 =	vcmask $0x3B38;
	s16 =	sadd.s32 s22, s16;
	s17 =	sadd.s32 s22, s17;
	s18 =	sadd.s32 s22, s18;
	v3 =	vsel vm14, $0x2280, v1;
	v1 =	vmul.u32 $0x40, v2  }
0x15: {  	s19 =	sadd.s32 s22, s19;
	s20 =	sadd.s32 s22, s20;
	s22 =	simm.s32 $0x400;
	v0 =	vimm.f32 $0.0e+00;
	v2 =	vsel vm15, $0x2300, v3;
	v3 =	vimm.f32 $1.000000000e+00  }
.LBB2_1:
0x16: {  	[tilespmem:s2], [sflag:$0x1] =	stream.linear.gather [hbm4b:s4+s2], $0x400, $0x38;
	[tilespmem:$0x4400] =	vst v63  }
0x17: {  	s30 =	simm.s32 $0xFFFFE000;
	s31 =	simm.s32 $0xFFFF8200  }
.LBB2_2:
0x18: {  	p0 =	sne.s32 s31, $0xFFFFFE00;
	[tilespmem:s30+$0x4470] =	vst v0  }
0x19: {  	[tilespmem:s30+$0x2400] =	vst v0  }
0x1a: {  	[tilespmem:s30+$0x2410] =	vst v0  }
0x1b: {  	[tilespmem:s30+$0x2420] =	vst v0  }
0x1c: {  	[tilespmem:s30+$0x2430] =	vst v0  }
0x1d: {  	[tilespmem:s30+$0x2440] =	vst v0  }
0x1e: {  	[tilespmem:s30+$0x2450] =	vst v0  }
0x1f: {  	[tilespmem:s30+$0x2460] =	vst v0  }
0x20: {  	[tilespmem:s30+$0x2470] =	vst v0  }
0x21: {  	[tilespmem:s30+$0x4400] =	vst v0  }
0x22: {  	[tilespmem:s30+$0x4410] =	vst v0  }
.Ltmp0:
0x23: {  	[tilespmem:s30+$0x4420] =	vst v0;
	(pc) =	sbr.rel @p0 .LBB2_2-.Ltmp0, $4  }
0x24: {  	[tilespmem:s30+$0x4430] =	vst v0  }
0x25: {  	[tilespmem:s30+$0x4440] =	vst v0  }
0x26: {  	[tilespmem:s30+$0x4450] =	vst v0  }
0x27: {  	[tilespmem:s30+$0x4460] =	vst v0;
	s30 =	sshra.s32 s31, $0x2;
	s31 =	sadd.s32 $0x200, s31  }
0x28: {  	[tilespmem:s30+$0x4470] =	vst v0  }
0x29: {  	[tilespmem:s30+$0x2400] =	vst v0  }
0x2a: {  	[tilespmem:s30+$0x2410] =	vst v0  }
0x2b: {  	[tilespmem:s30+$0x2420] =	vst v0  }
0x2c: {  	[tilespmem:s30+$0x2430] =	vst v0  }
0x2d: {  	[tilespmem:s30+$0x2440] =	vst v0  }
0x2e: {  	[tilespmem:s30+$0x2450] =	vst v0  }
0x2f: {  	[tilespmem:s30+$0x2460] =	vst v0  }
0x30: {  	[tilespmem:s30+$0x2470] =	vst v0  }
0x31: {  	[tilespmem:s30+$0x4400] =	vst v0  }
0x32: {  	[tilespmem:s30+$0x4410] =	vst v0  }
0x33: {  	[tilespmem:s30+$0x4420] =	vst v0  }
0x34: {  	[tilespmem:s30+$0x4430] =	vst v0  }
0x35: {  	[tilespmem:s30+$0x4440] =	vst v0  }
0x36: {  	[tilespmem:s30+$0x4450] =	vst v0  }
0x37: {  	[tilespmem:s30+$0x4460] =	vst v0  }
0x38: {  	_ =	swait.ge [sflag:s3], $0x400  }
0x39: {  	[sflag:s3] =	ssyncset.done $0x0  }
0x3a: {  	s30 =	simm.s32 $0x0;
	[sflag:s3] =	ssyncadd.s32 $0xFFFFFC00  }
.LBB2_4:
0x3b: {  	v4 =	vor.u32 s30, v1;
	_ =	sdelay $0x4  }
0x3c: {  	v4 =	vld.idx.msk [tilespmem:v4+s2+$0x0], $0xffff;
	_ =	sdelay $0x4  }
0x3d: {  	v5 =	vshll.u32 v4, $0x3  }
0x3e: {  	v4 =	vand.u32 $0x7F, v4;
	v5 =	vand.u32 $0xFFFFFC00, v5  }
0x3f: {  	v4 =	vor.u32 v4, v5  }
0x40: {  	s31 =	sadd.s32 $0x1, s30;
	v4 =	vadd.s32 v2, v4  }
0x41: {  	v5 =	vor.u32 s31, v1;
	_ =	sdelay $0x3  }
0x42: {  	[tilespmem:v4+s22+$0x0] =	vst.idx.add.f32.msk $0xffff, v3  }
0x43: {  	v4 =	vld.idx.msk [tilespmem:v5+s2+$0x0], $0xffff;
	_ =	sdelay $0x4  }
0x44: {  	v5 =	vshll.u32 v4, $0x3  }
0x45: {  	v4 =	vand.u32 $0x7F, v4;
	v5 =	vand.u32 $0xFFFFFC00, v5  }
0x46: {  	v4 =	vor.u32 v4, v5  }
0x47: {  	s31 =	sadd.s32 $0x2, s30;
	v4 =	vadd.s32 v2, v4  }
0x48: {  	v5 =	vor.u32 s31, v1;
	_ =	sdelay $0x3  }
0x49: {  	[tilespmem:v4+s22+$0x0] =	vst.idx.add.f32.msk $0xffff, v3  }
0x4a: {  	v4 =	vld.idx.msk [tilespmem:v5+s2+$0x0], $0xffff;
	_ =	sdelay $0x4  }
0x4b: {  	v5 =	vshll.u32 v4, $0x3  }
0x4c: {  	v4 =	vand.u32 $0x7F, v4;
	v5 =	vand.u32 $0xFFFFFC00, v5  }
0x4d: {  	v4 =	vor.u32 v4, v5  }
0x4e: {  	s31 =	sadd.s32 $0x3, s30;
	v4 =	vadd.s32 v2, v4  }
0x4f: {  	v5 =	vor.u32 s31, v1;
	_ =	sdelay $0x3  }
0x50: {  	[tilespmem:v4+s22+$0x0] =	vst.idx.add.f32.msk $0xffff, v3  }
0x51: {  	v4 =	vld.idx.msk [tilespmem:v5+s2+$0x0], $0xffff;
	_ =	sdelay $0x4  }
0x52: {  	v5 =	vshll.u32 v4, $0x3  }
0x53: {  	v4 =	vand.u32 $0x7F, v4;
	v5 =	vand.u32 $0xFFFFFC00, v5  }
0x54: {  	v4 =	vor.u32 v4, v5  }
0x55: {  	p0 =	sne.s32 s30, $0x3C;
	v4 =	vadd.s32 v2, v4  }
.Ltmp1:
0x56: {  	_ = 	snop;
	(pc) =	sbr.rel @p0 .LBB2_4-.Ltmp1, $2  }
0x57: {  	_ =	sdelay $0x2  }
0x58: {  	s30 =	sadd.s32 $0x4, s30;
	[tilespmem:v4+s22+$0x0] =	vst.idx.add.f32.msk $0xffff, v3  }
0x59: {  	[hbm4b:s5+s2] =	stream.linear.scatter [tilespmem:s22], [sflag:$0x1], $0x400, $0x38;
	[tilespmem:$0x4400] =	vst v63  }
0x5a: {  	s30 =	simm.s32 $0x800  }
0x5b: {  	[hbm4b:s6+s2] =	stream.linear.scatter [tilespmem:s30], [sflag:$0x1], $0x400, $0x38;
	[tilespmem:$0x4400] =	vst v63  }
0x5c: {  	s31 =	simm.s32 $0xC00  }
0x5d: {  	[hbm4b:s7+s2] =	stream.linear.scatter [tilespmem:s31], [sflag:$0x1], $0x400, $0x38;
	[tilespmem:$0x4400] =	vst v63  }
0x5e: {  	s31 =	simm.s32 $0x1000  }
0x5f: {  	[hbm4b:s8+s2] =	stream.linear.scatter [tilespmem:s31], [sflag:$0x1], $0x400, $0x38;
	[tilespmem:$0x4400] =	vst v63  }
0x60: {  	s31 =	simm.s32 $0x1400  }
0x61: {  	[hbm4b:s9+s2] =	stream.linear.scatter [tilespmem:s31], [sflag:$0x1], $0x400, $0x38;
	[tilespmem:$0x4400] =	vst v63  }
0x62: {  	s31 =	simm.s32 $0x1800  }
0x63: {  	[hbm4b:s10+s2] =	stream.linear.scatter [tilespmem:s31], [sflag:$0x1], $0x400, $0x38;
	[tilespmem:$0x4400] =	vst v63  }
0x64: {  	s31 =	simm.s32 $0x1C00  }
0x65: {  	[hbm4b:s11+s2] =	stream.linear.scatter [tilespmem:s31], [sflag:$0x1], $0x400, $0x38;
	[tilespmem:$0x4400] =	vst v63  }
0x66: {  	s31 =	simm.s32 $0x2000  }
0x67: {  	[hbm4b:s12+s2] =	stream.linear.scatter [tilespmem:s31], [sflag:$0x1], $0x400, $0x38;
	[tilespmem:$0x4400] =	vst v63  }
0x68: {  	s31 =	simm.s32 $0x2400  }
0x69: {  	[hbm4b:s13+s2] =	stream.linear.scatter [tilespmem:s31], [sflag:$0x1], $0x400, $0x38;
	[tilespmem:$0x4400] =	vst v63  }
0x6a: {  	_ = 	snop  }
0x6b: {  	[hbm4b:s14+s2] =	stream.linear.scatter [tilespmem:s1], [sflag:$0x1], $0x400, $0x38;
	[tilespmem:$0x4400] =	vst v63  }
0x6c: {  	_ = 	snop  }
0x6d: {  	[hbm4b:s15+s2] =	stream.linear.scatter [tilespmem:s0], [sflag:$0x1], $0x400, $0x38;
	[tilespmem:$0x4400] =	vst v63  }
0x6e: {  	_ = 	snop  }
0x6f: {  	[hbm4b:s16+s2] =	stream.linear.scatter [tilespmem:s23], [sflag:$0x1], $0x400, $0x38;
	[tilespmem:$0x4400] =	vst v63  }
0x70: {  	_ = 	snop  }
0x71: {  	[hbm4b:s17+s2] =	stream.linear.scatter [tilespmem:s24], [sflag:$0x1], $0x400, $0x38;
	[tilespmem:$0x4400] =	vst v63  }
0x72: {  	_ = 	snop  }
0x73: {  	[hbm4b:s18+s2] =	stream.linear.scatter [tilespmem:s25], [sflag:$0x1], $0x400, $0x38;
	[tilespmem:$0x4400] =	vst v63  }
0x74: {  	_ = 	snop  }
0x75: {  	[hbm4b:s19+s2] =	stream.linear.scatter [tilespmem:s26], [sflag:$0x1], $0x400, $0x38;
	[tilespmem:$0x4400] =	vst v63  }
0x76: {  	_ = 	snop  }
0x77: {  	[hbm4b:s20+s2] =	stream.linear.scatter [tilespmem:s28], [sflag:$0x1], $0x400, $0x38;
	[tilespmem:$0x4400] =	vst v63  }
0x78: {  	_ =	swait.ge [sflag:s3], $0x400  }
0x79: {  	[sflag:s3] =	ssyncset.done $0x0  }
0x7a: {  	[sflag:s3] =	ssyncadd.s32 $0xFFFFFC00  }
0x7b: {  	_ =	swait.ge [sflag:s3], $0x400  }
0x7c: {  	[sflag:s3] =	ssyncset.done $0x0  }
0x7d: {  	[sflag:s3] =	ssyncadd.s32 $0xFFFFFC00  }
0x7e: {  	_ =	swait.ge [sflag:s3], $0x400  }
0x7f: {  	[sflag:s3] =	ssyncset.done $0x0  }
0x80: {  	[sflag:s3] =	ssyncadd.s32 $0xFFFFFC00  }
0x81: {  	_ =	swait.ge [sflag:s3], $0x400  }
0x82: {  	[sflag:s3] =	ssyncset.done $0x0  }
0x83: {  	[sflag:s3] =	ssyncadd.s32 $0xFFFFFC00  }
0x84: {  	_ =	swait.ge [sflag:s3], $0x400  }
0x85: {  	[sflag:s3] =	ssyncset.done $0x0  }
0x86: {  	[sflag:s3] =	ssyncadd.s32 $0xFFFFFC00  }
0x87: {  	_ =	swait.ge [sflag:s3], $0x400  }
0x88: {  	[sflag:s3] =	ssyncset.done $0x0  }
0x89: {  	[sflag:s3] =	ssyncadd.s32 $0xFFFFFC00  }
0x8a: {  	_ =	swait.ge [sflag:s3], $0x400  }
0x8b: {  	[sflag:s3] =	ssyncset.done $0x0  }
0x8c: {  	[sflag:s3] =	ssyncadd.s32 $0xFFFFFC00  }
0x8d: {  	_ =	swait.ge [sflag:s3], $0x400  }
0x8e: {  	[sflag:s3] =	ssyncset.done $0x0  }
0x8f: {  	[sflag:s3] =	ssyncadd.s32 $0xFFFFFC00  }
0x90: {  	_ =	swait.ge [sflag:s3], $0x400  }
0x91: {  	[sflag:s3] =	ssyncset.done $0x0  }
0x92: {  	[sflag:s3] =	ssyncadd.s32 $0xFFFFFC00  }
0x93: {  	_ =	swait.ge [sflag:s3], $0x400  }
0x94: {  	[sflag:s3] =	ssyncset.done $0x0  }
0x95: {  	[sflag:s3] =	ssyncadd.s32 $0xFFFFFC00  }
0x96: {  	_ =	swait.ge [sflag:s3], $0x400  }
0x97: {  	[sflag:s3] =	ssyncset.done $0x0  }
0x98: {  	[sflag:s3] =	ssyncadd.s32 $0xFFFFFC00  }
0x99: {  	_ =	swait.ge [sflag:s3], $0x400  }
0x9a: {  	[sflag:s3] =	ssyncset.done $0x0  }
0x9b: {  	[sflag:s3] =	ssyncadd.s32 $0xFFFFFC00  }
0x9c: {  	_ =	swait.ge [sflag:s3], $0x400  }
0x9d: {  	[sflag:s3] =	ssyncset.done $0x0  }
0x9e: {  	[sflag:s3] =	ssyncadd.s32 $0xFFFFFC00  }
0x9f: {  	_ =	swait.ge [sflag:s3], $0x400  }
0xa0: {  	[sflag:s3] =	ssyncset.done $0x0  }
0xa1: {  	s29 =	sadd.s32 $0x1, s29;
	[sflag:s3] =	ssyncadd.s32 $0xFFFFFC00  }
0xa2: {  	p0 =	sne.s32 s29, s21;
	_ =	swait.ge [sflag:s3], $0x400  }
.Ltmp2:
0xa3: {  	[sflag:s3] =	ssyncset.done $0x0;
	(pc) =	sbr.rel @p0 .LBB2_1-.Ltmp2, $4  }
0xa4: {  	[sflag:s3] =	ssyncadd.s32 $0xFFFFFC00  }
0xa5: {  	_ =	swait.ge [sflag:s3], $0x400  }
0xa6: {  	[sflag:s3] =	ssyncset.done $0x0  }
0xa7: {  	[sflag:s3] =	ssyncadd.s32 $0xFFFFFC00  }
0xa8: {  	_ =	sfence.sel $0x180000  }
0xa9: {  	[bflag:$0x0] =	sbarrier.arrive $0xFFFF  }
0xaa: {  	_ =	strace $0x90000047  }
0xab: {  	s0 =	stileid.u32;
	[bflag:$0x2] =	sbarrier.arrive $0xFFFF  }
0xac: {  	p0 =	sne.s32 s0, $0x0;
	s0 =	rddreg [dreg:$0x2]  }
0xad: {  	s0 =	sadd.s32 @!p0 $0x100000, s0  }
0xae: {  	[sflag:s0] =	ssyncadd.tile.s32 @!p0 $0x1;
	_ =	shalt  }
.Lfunc_end2:
_tile_overlayer_lowered:
.L_overlay_start_2:
0xaf: {  	(tag) =	ssettag $0x2  }
0xb0: {  	s0 =	rddreg [dreg:$0x0];
	s2 =	stileid.u32  }
0xb1: {  	s1 =	rddreg [dreg:$0x1];
	p0 =	sne.s32 s2, $0x0  }
0xb2: {  	s3 =	rddreg [dreg:$0x2];
	[bflag:$0x3] =	sbarrier.arrive $0xFFFF;
	s2 =	simm.s32 @!p0 $0x1C02  }
0xb3: {  	[timem:s3], [sflag:s2] =	dma.local @!p0 [hbm:s0], s1  }
0xb4: {  	s0 =	simm.s32 @!p0 $0x2  }
0xb5: {  	_ =	swait.ge @!p0 [sflag:s0], s1  }
0xb6: {  	s1 =	ssub.s32 @!p0 $0x0, s1;
	[sflag:s0] =	ssyncset.done @!p0 $0x0  }
0xb7: {  	[sflag:s0] =	ssyncadd.s32 @!p0 s1  }
0xb8: {  	[bflag:$0x3] =	sbarrier.arrive $0xFFFF  }
0xb9: {  	_ =	shalt  }

</sc_bundles>
